<compile_context>
chip_gen: v7x
topology: tpu7x:2x2x1
jax: 0.10.2.dev20260603
libtpu: 0.0.44.dev20260713+nightly
codegen_flags: <defaults>
</compile_context>

<pallas_src>
import functools

import jax
import jax.numpy as jnp
from jax import lax
from jax.experimental import pallas as pl
from jax.experimental.pallas import tpu as pltpu
from jax.experimental.pallas import tpu_sc as plsc

N_NODES = 10000
N_EDGES = 320000
IN_FEATS = 128
HIDDEN = 64
OUT_FEATS = 32

NP = 10240
NW = 32
ROWS_PER_W = 80
EP = NW * ROWS_PER_W * 128
ROWS_PER_TILE = NP // 16
BLK = 1024
GRID = NP // BLK


def _make_sc_agg(feat, with_count):
    out_type = [jax.ShapeDtypeStruct((2 * NP, feat), jnp.float32)]
    if with_count:
        out_type.append(jax.ShapeDtypeStruct((2 * NP,), jnp.float32))

    scratch = dict(
        src_v=pltpu.VMEM((ROWS_PER_W, 128), jnp.int32),
        dst_v=pltpu.VMEM((ROWS_PER_W, 128), jnp.int32),
        rows_v=pltpu.VMEM((512, feat), jnp.float32),
        zbuf=pltpu.VMEM((64, feat), jnp.float32),
        acc_sh=pltpu.VMEM_SHARED((NP, feat), jnp.float32),
        sem=pltpu.SemaphoreType.DMA,
    )
    if with_count:
        scratch.update(
            zbuf1=pltpu.VMEM((ROWS_PER_TILE,), jnp.float32),
            ones_v=pltpu.VMEM((128,), jnp.float32),
            cnt_sh=pltpu.VMEM_SHARED((NP,), jnp.float32),
        )

    mesh = plsc.VectorSubcoreMesh(
        core_axis_name="c", subcore_axis_name="s", num_cores=2, num_subcores=16
    )

    def body(rows_hbm, src_hbm, dst_hbm, *refs):
        if with_count:
            agg_out, cnt_out, src_v, dst_v, rows_v, zbuf, acc_sh, sem, \
                zbuf1, ones_v, cnt_sh = refs
        else:
            agg_out, src_v, dst_v, rows_v, zbuf, acc_sh, sem = refs
        c = lax.axis_index("c")
        s = lax.axis_index("s")

        z16 = jnp.zeros((16,), jnp.float32)

        def zrow(i, carry):
            for g in range(feat // 16):
                zbuf[i, pl.ds(g * 16, 16)] = z16
            return carry
        lax.fori_loop(0, 64, zrow, 0)

        def zslice(k, carry):
            pltpu.sync_copy(zbuf, acc_sh.at[pl.ds(s * ROWS_PER_TILE + k * 64, 64)])
            return carry
        lax.fori_loop(0, ROWS_PER_TILE // 64, zslice, 0)

        if with_count:
            def zc(i, carry):
                zbuf1[pl.ds(i * 16, 16)] = z16
                return carry
            lax.fori_loop(0, ROWS_PER_TILE // 16, zc, 0)
            pltpu.sync_copy(zbuf1, cnt_sh.at[pl.ds(s * ROWS_PER_TILE, ROWS_PER_TILE)])
            o16 = jnp.full((16,), 1.0, jnp.float32)
            for g in range(8):
                ones_v[pl.ds(g * 16, 16)] = o16

        plsc.subcore_barrier()

        wrow = (c * 16 + s) * ROWS_PER_W
        pltpu.sync_copy(src_hbm.at[pl.ds(wrow, ROWS_PER_W)], src_v)
        pltpu.sync_copy(dst_hbm.at[pl.ds(wrow, ROWS_PER_W)], dst_v)

        def blk(j, carry):
            for u in range(4):
                r = j * 4 + u
                g = pltpu.async_copy(
                    rows_hbm.at[src_v.at[r]], rows_v.at[pl.ds(u * 128, 128)], sem
                )
                g.wait()
                pltpu.sync_copy(
                    rows_v.at[pl.ds(u * 128, 128)], acc_sh.at[dst_v.at[r]], add=True
                )
                if with_count:
                    pltpu.sync_copy(ones_v, cnt_sh.at[dst_v.at[r]], add=True)
            return carry
        lax.fori_loop(0, ROWS_PER_W // 4, blk, 0)

        plsc.subcore_barrier()

        off = c * NP + s * ROWS_PER_TILE
        pltpu.sync_copy(
            acc_sh.at[pl.ds(s * ROWS_PER_TILE, ROWS_PER_TILE)],
            agg_out.at[pl.ds(off, ROWS_PER_TILE)],
        )
        if with_count:
            pltpu.sync_copy(
                cnt_sh.at[pl.ds(s * ROWS_PER_TILE, ROWS_PER_TILE)],
                cnt_out.at[pl.ds(off, ROWS_PER_TILE)],
            )

    return pl.kernel(
        body, out_type=out_type, mesh=mesh,
        scratch_types=list(scratch.values()),
        compiler_params=pltpu.CompilerParams(use_tc_tiling_on_sc=False),
    )


_sc_agg1 = _make_sc_agg(HIDDEN, True)
_sc_agg2 = _make_sc_agg(OUT_FEATS, False)


def _mm_kernel(x_ref, w_ref, o_ref):
    o_ref[...] = lax.dot_general(
        x_ref[...], w_ref[...], (((1,), (1,)), ((), ())),
        preferred_element_type=jnp.float32,
    )


def _project(x, w):
    k = x.shape[1]
    f = w.shape[0]
    return pl.pallas_call(
        _mm_kernel,
        grid=(GRID,),
        in_specs=[
            pl.BlockSpec((BLK, k), lambda i: (i, 0)),
            pl.BlockSpec((f, k), lambda i: (0, 0)),
        ],
        out_specs=pl.BlockSpec((BLK, f), lambda i: (i, 0)),
        out_shape=jax.ShapeDtypeStruct((NP, f), jnp.float32),
    )(x, w)


def _epilogue_kernel(relu, a0_ref, a1_ref, c0_ref, c1_ref, x_ref, wr_ref,
                     b_ref, h_ref):
    cnt = jnp.maximum(c0_ref[...] + c1_ref[...], 1.0)
    mean = (a0_ref[...] + a1_ref[...]) / cnt
    h = mean + b_ref[...] + lax.dot_general(
        x_ref[...], wr_ref[...], (((1,), (1,)), ((), ())),
        preferred_element_type=jnp.float32,
    )
    if relu:
        h = jnp.maximum(h, 0.0)
    h_ref[...] = h


def _epilogue(agg, cnt, x, wr, b, relu):
    f = wr.shape[0]
    k = x.shape[1]
    a0, a1 = agg[:NP], agg[NP:]
    c0 = cnt[:NP].reshape(NP, 1)
    c1 = cnt[NP:].reshape(NP, 1)
    b2 = b.reshape(1, f)
    return pl.pallas_call(
        functools.partial(_epilogue_kernel, relu),
        grid=(GRID,),
        in_specs=[
            pl.BlockSpec((BLK, f), lambda i: (i, 0)),
            pl.BlockSpec((BLK, f), lambda i: (i, 0)),
            pl.BlockSpec((BLK, 1), lambda i: (i, 0)),
            pl.BlockSpec((BLK, 1), lambda i: (i, 0)),
            pl.BlockSpec((BLK, k), lambda i: (i, 0)),
            pl.BlockSpec((f, k), lambda i: (0, 0)),
            pl.BlockSpec((1, f), lambda i: (0, 0)),
        ],
        out_specs=pl.BlockSpec((BLK, f), lambda i: (i, 0)),
        out_shape=jax.ShapeDtypeStruct((NP, f), jnp.float32),
    )(a0, a1, c0, c1, x, wr, b2)


def kernel(x, edge_index, W1l, b1, W1r, W2l, b2, W2r):
    src = edge_index[0].astype(jnp.int32)
    dst = edge_index[1].astype(jnp.int32)
    pad = EP - N_EDGES
    src_p = jnp.concatenate([src, jnp.zeros((pad,), jnp.int32)]).reshape(-1, 128)
    dst_p = jnp.concatenate([dst, jnp.full((pad,), NP - 1, jnp.int32)]).reshape(-1, 128)
    x_p = jnp.pad(x, ((0, NP - N_NODES), (0, 0)))

    p1 = _project(x_p, W1l)
    agg1, cnt = _sc_agg1(p1, src_p, dst_p)
    h = _epilogue(agg1, cnt, x_p, W1r, b1, True)
    p2 = _project(h, W2l)
    agg2 = _sc_agg2(p2, src_p, dst_p)[0]
    out = _epilogue(agg2, cnt, h, W2r, b2, False)
    return out[:N_NODES]

# --- scband reference (transcript-rebuilt; emitter-appended) ---
"""Pipeline reference for scband-sagerecommender-6897717477582 (READ-ONLY COPY).

The authoritative reference and input builder live on the scoring server;
editing this copy changes nothing except your own understanding.
"""

import jax, jax.numpy as jnp
import numpy as np

N_NODES = 10000
N_EDGES = 320000
IN_FEATS = 128
HIDDEN = 64
OUT_FEATS = 32


def setup_inputs(seed: int = 0) -> dict:
    key = jax.random.key(seed)
    ks = jax.random.split(key, 8)
    x = jax.random.normal(ks[0], (N_NODES, IN_FEATS), dtype=jnp.float32)
    edge_index = jax.random.randint(ks[1], (2, N_EDGES), 0, N_NODES, dtype=jnp.int64)
    # SAGEConv layer 1 params (lin_l: aggregated neighbors, with bias; lin_r: root, no bias)
    s1 = 1.0 / np.sqrt(IN_FEATS)
    W1l = jax.random.uniform(ks[2], (HIDDEN, IN_FEATS), minval=-s1, maxval=s1, dtype=jnp.float32)
    b1 = jnp.zeros((HIDDEN,), dtype=jnp.float32)
    W1r = jax.random.uniform(ks[3], (HIDDEN, IN_FEATS), minval=-s1, maxval=s1, dtype=jnp.float32)
    # SAGEConv layer 2 params
    s2 = 1.0 / np.sqrt(HIDDEN)
    W2l = jax.random.uniform(ks[4], (OUT_FEATS, HIDDEN), minval=-s2, maxval=s2, dtype=jnp.float32)
    b2 = jnp.zeros((OUT_FEATS,), dtype=jnp.float32)
    W2r = jax.random.uniform(ks[5], (OUT_FEATS, HIDDEN), minval=-s2, maxval=s2, dtype=jnp.float32)
    return {"x": x, "edge_index": edge_index, "W1l": W1l, "b1": b1, "W1r": W1r, "W2l": W2l, "b2": b2, "W2r": W2r}


def _sage_conv(x, src, dst, Wl, b, Wr):
    # mean aggregation of neighbor features (messages flow src -> dst)
    msgs = jnp.take(x, src, axis=0)
    agg = jax.ops.segment_sum(msgs, dst, num_segments=N_NODES)
    cnt = jax.ops.segment_sum(jnp.ones((src.shape[0],), dtype=x.dtype), dst, num_segments=N_NODES)
    mean = agg / jnp.clip(cnt, 1.0)[:, None]
    return mean @ Wl.T + b + x @ Wr.T


def reference(x, edge_index, W1l, b1, W1r, W2l, b2, W2r):
    src = edge_index[0]
    dst = edge_index[1]
    h = _sage_conv(x, src, dst, W1l, b1, W1r)
    h = jax.nn.relu(h)
    out = _sage_conv(h, src, dst, W2l, b2, W2r)
    return out

if __name__ == "__main__":
    import jax
    _d = setup_inputs()
    print(jax.jit(kernel)(*tuple(_d.values())))

</pallas_src>

<mosaic_0001>
#map = affine_map<(d0, d1) -> (0, 0)>
#map1 = affine_map<(d0, d1) -> (0)>
module attributes {stable_mosaic.version = 14 : i64} {
  func.func @body(%arg0: i32, %arg1: i32, %arg2: memref<10240x64xf32, #tpu.memory_space<hbm>>, %arg3: memref<2560x128xi32, #tpu.memory_space<hbm>>, %arg4: memref<2560x128xi32, #tpu.memory_space<hbm>>, %arg5: memref<20480x64xf32, #tpu.memory_space<hbm>>, %arg6: memref<20480xf32, #tpu.memory_space<hbm>>, %arg7: memref<80x128xi32, #tpu.memory_space<vmem>>, %arg8: memref<80x128xi32, #tpu.memory_space<vmem>>, %arg9: memref<512x64xf32, #tpu.memory_space<vmem>>, %arg10: memref<64x64xf32, #tpu.memory_space<vmem>>, %arg11: memref<10240x64xf32, #tpu.memory_space<vmem_shared>>, %arg12: memref<!tpu.dma_semaphore, #tpu.memory_space<semaphore_mem>>, %arg13: memref<640xf32, #tpu.memory_space<vmem>>, %arg14: memref<128xf32, #tpu.memory_space<vmem>>, %arg15: memref<10240xf32, #tpu.memory_space<vmem_shared>>) attributes {dimension_semantics = [#tpu.dimension_semantics<core_parallel>, #tpu.dimension_semantics<subcore_parallel>], iteration_bounds = array<i64: 2, 16>, scalar_prefetch = 0 : i64, scratch_operands = 9 : i64, tpu.core_type = #tpu.core_type<sc_vector_subcore>, window_params = [{transform_indices = #map}, {transform_indices = #map}, {transform_indices = #map}, {transform_indices = #map}, {transform_indices = #map1}]} {
    %broadcast_in_dim3A = arith.constant 0.000000e+00 : f32
    %broadcast_in_dim3A_0 = vector.broadcast %broadcast_in_dim3A : f32 to vector<16xf32>
    %scan3A = arith.constant 0 : i32
    %scan3A_1 = arith.constant 0 : i32
    %scan3A_2 = arith.constant 64 : i32
    %scan3A_3 = arith.addi %scan3A_1, %scan3A_2 : i32
    %scan3A_4 = arith.constant 1 : i32
    scf.for %scan3A_72 = %scan3A_1 to %scan3A_3 step %scan3A_4  : i32 {
      %swap3A_73 = arith.index_cast %scan3A_72 : i32 to index
      %swap3A_74 = arith.constant 0 : index
      %swap3A_75 = tpu.vector_load %arg10[%swap3A_73, %swap3A_74] {strides = array<i32>} : memref<64x64xf32, #tpu.memory_space<vmem>>, vector<1x16xf32>,
      %swap3A_76 = vector.shape_cast %swap3A_75 : vector<1x16xf32> to vector<16xf32>
      %swap3A_77 = vector.shape_cast %broadcast_in_dim3A_0 : vector<16xf32> to vector<1x16xf32>
      tpu.vector_store %arg10[%swap3A_73, %swap3A_74], %swap3A_77 {strides = array<i32>} : memref<64x64xf32, #tpu.memory_space<vmem>>, vector<1x16xf32>,
      %swap3A_78 = arith.index_cast %scan3A_72 : i32 to index
      %swap3A_79 = arith.constant 16 : index
      %swap3A_80 = tpu.vector_load %arg10[%swap3A_78, %swap3A_79] {strides = array<i32>} : memref<64x64xf32, #tpu.memory_space<vmem>>, vector<1x16xf32>,
      %swap3A_81 = vector.shape_cast %swap3A_80 : vector<1x16xf32> to vector<16xf32>
      %swap3A_82 = vector.shape_cast %broadcast_in_dim3A_0 : vector<16xf32> to vector<1x16xf32>
      tpu.vector_store %arg10[%swap3A_78, %swap3A_79], %swap3A_82 {strides = array<i32>} : memref<64x64xf32, #tpu.memory_space<vmem>>, vector<1x16xf32>,
      %swap3A_83 = arith.index_cast %scan3A_72 : i32 to index
      %swap3A_84 = arith.constant 32 : index
      %swap3A_85 = tpu.vector_load %arg10[%swap3A_83, %swap3A_84] {strides = array<i32>} : memref<64x64xf32, #tpu.memory_space<vmem>>, vector<1x16xf32>,
      %swap3A_86 = vector.shape_cast %swap3A_85 : vector<1x16xf32> to vector<16xf32>
      %swap3A_87 = vector.shape_cast %broadcast_in_dim3A_0 : vector<16xf32> to vector<1x16xf32>
      tpu.vector_store %arg10[%swap3A_83, %swap3A_84], %swap3A_87 {strides = array<i32>} : memref<64x64xf32, #tpu.memory_space<vmem>>, vector<1x16xf32>,
      %swap3A_88 = arith.index_cast %scan3A_72 : i32 to index
      %swap3A_89 = arith.constant 48 : index
      %swap3A_90 = tpu.vector_load %arg10[%swap3A_88, %swap3A_89] {strides = array<i32>} : memref<64x64xf32, #tpu.memory_space<vmem>>, vector<1x16xf32>,
      %swap3A_91 = vector.shape_cast %swap3A_90 : vector<1x16xf32> to vector<16xf32>
      %swap3A_92 = vector.shape_cast %broadcast_in_dim3A_0 : vector<16xf32> to vector<1x16xf32>
      tpu.vector_store %arg10[%swap3A_88, %swap3A_89], %swap3A_92 {strides = array<i32>} : memref<64x64xf32, #tpu.memory_space<vmem>>, vector<1x16xf32>,
    }
    %scan3A_5 = arith.constant 64 : i32
    %scan3A_6 = arith.constant 0 : i32
    %scan3A_7 = arith.constant 0 : i32
    %scan3A_8 = arith.constant 10 : i32
    %scan3A_9 = arith.addi %scan3A_7, %scan3A_8 : i32
    %scan3A_10 = arith.constant 1 : i32
    scf.for %scan3A_72 = %scan3A_7 to %scan3A_9 step %scan3A_10  : i32 {
      %mul3A_73 = arith.constant 640 : i32
      %mul3A_74 = arith.muli %arg1, %mul3A_73 : i32
      %mul3A_75 = arith.constant 64 : i32
      %mul3A_76 = arith.muli %scan3A_72, %mul3A_75 : i32
      %add3A_77 = arith.addi %mul3A_74, %mul3A_76 : i32
      "tpu.region"() ({
        %run_scoped3A = tpu.sem_alloc : memref<!tpu.dma_semaphore, #tpu.memory_space<semaphore_mem>>
        %dma_start3A = arith.constant 0 : i32
        %dma_start3A_78 = tpu.memref_slice %arg11[%add3A_77, %dma_start3A] : memref<10240x64xf32, #tpu.memory_space<vmem_shared>> -> memref<64x64xf32, #tpu.memory_space<vmem_shared>>
        %dma_start3A_79 = arith.constant 0 : i32
        %dma_start3A_80 = tpu.memref_slice %arg11[%add3A_77, %dma_start3A_79] : memref<10240x64xf32, #tpu.memory_space<vmem_shared>> -> memref<64x64xf32, #tpu.memory_space<vmem_shared>>
        tpu.enqueue_dma source(%arg10 : memref<64x64xf32, #tpu.memory_space<vmem>>) target(%dma_start3A_80 : memref<64x64xf32, #tpu.memory_space<vmem_shared>>) target_semaphore(%run_scoped3A : memref<!tpu.dma_semaphore, #tpu.memory_space<semaphore_mem>>)
        %dma_wait3A = arith.constant 0 : i32
        %dma_wait3A_81 = tpu.memref_slice %arg11[%add3A_77, %dma_wait3A] : memref<10240x64xf32, #tpu.memory_space<vmem_shared>> -> memref<64x64xf32, #tpu.memory_space<vmem_shared>>
        %dma_wait3A_82 = arith.constant 0 : i32
        %dma_wait3A_83 = tpu.memref_slice %arg11[%add3A_77, %dma_wait3A_82] : memref<10240x64xf32, #tpu.memory_space<vmem_shared>> -> memref<64x64xf32, #tpu.memory_space<vmem_shared>>
        tpu.wait_dma2 semaphore(%run_scoped3A : memref<!tpu.dma_semaphore, #tpu.memory_space<semaphore_mem>>) src(%arg10 : memref<64x64xf32, #tpu.memory_space<vmem>>) dst(%dma_wait3A_83 : memref<64x64xf32, #tpu.memory_space<vmem_shared>>)
        tpu.yield
      }) : () -> ()
    }
    %scan3A_11 = arith.constant 10 : i32
    %scan3A_12 = arith.constant 0 : i32
    %scan3A_13 = arith.constant 0 : i32
    %scan3A_14 = arith.constant 40 : i32
    %scan3A_15 = arith.addi %scan3A_13, %scan3A_14 : i32
    %scan3A_16 = arith.constant 1 : i32
    scf.for %scan3A_72 = %scan3A_13 to %scan3A_15 step %scan3A_16  : i32 {
      %mul3A_73 = arith.constant 16 : i32
      %mul3A_74 = arith.muli %scan3A_72, %mul3A_73 : i32
      %swap3A_75 = arith.index_cast %mul3A_74 : i32 to index
      %swap3A_76 = tpu.vector_load %arg13[%swap3A_75] {strides = array<i32>} : memref<640xf32, #tpu.memory_space<vmem>>, vector<16xf32>,
      %swap3A_77 = vector.shape_cast %swap3A_76 : vector<16xf32> to vector<16xf32>
      %swap3A_78 = vector.shape_cast %broadcast_in_dim3A_0 : vector<16xf32> to vector<16xf32>
      tpu.vector_store %arg13[%swap3A_75], %swap3A_78 {strides = array<i32>} : memref<640xf32, #tpu.memory_space<vmem>>, vector<16xf32>,
    }
    %scan3A_17 = arith.constant 40 : i32
    %mul3A = arith.constant 640 : i32
    %mul3A_18 = arith.muli %arg1, %mul3A : i32
    "tpu.region"() ({
      %run_scoped3A = tpu.sem_alloc : memref<!tpu.dma_semaphore, #tpu.memory_space<semaphore_mem>>
      %dma_start3A = tpu.memref_slice %arg15[%mul3A_18] : memref<10240xf32, #tpu.memory_space<vmem_shared>> -> memref<640xf32, #tpu.memory_space<vmem_shared>>
      %dma_start3A_72 = tpu.memref_slice %arg15[%mul3A_18] : memref<10240xf32, #tpu.memory_space<vmem_shared>> -> memref<640xf32, #tpu.memory_space<vmem_shared>>
      tpu.enqueue_dma source(%arg13 : memref<640xf32, #tpu.memory_space<vmem>>) target(%dma_start3A_72 : memref<640xf32, #tpu.memory_space<vmem_shared>>) target_semaphore(%run_scoped3A : memref<!tpu.dma_semaphore, #tpu.memory_space<semaphore_mem>>)
      %dma_wait3A = tpu.memref_slice %arg15[%mul3A_18] : memref<10240xf32, #tpu.memory_space<vmem_shared>> -> memref<640xf32, #tpu.memory_space<vmem_shared>>
      %dma_wait3A_73 = tpu.memref_slice %arg15[%mul3A_18] : memref<10240xf32, #tpu.memory_space<vmem_shared>> -> memref<640xf32, #tpu.memory_space<vmem_shared>>
      tpu.wait_dma2 semaphore(%run_scoped3A : memref<!tpu.dma_semaphore, #tpu.memory_space<semaphore_mem>>) src(%arg13 : memref<640xf32, #tpu.memory_space<vmem>>) dst(%dma_wait3A_73 : memref<640xf32, #tpu.memory_space<vmem_shared>>)
      tpu.yield
    }) : () -> ()
    %broadcast_in_dim3A_19 = arith.constant 1.000000e+00 : f32
    %broadcast_in_dim3A_20 = vector.broadcast %broadcast_in_dim3A_19 : f32 to vector<16xf32>
    %swap3A = arith.constant 0 : index
    %swap3A_21 = tpu.vector_load %arg14[%swap3A] {strides = array<i32>} : memref<128xf32, #tpu.memory_space<vmem>>, vector<16xf32>,
    %swap3A_22 = vector.shape_cast %swap3A_21 : vector<16xf32> to vector<16xf32>
    %swap3A_23 = vector.shape_cast %broadcast_in_dim3A_20 : vector<16xf32> to vector<16xf32>
    tpu.vector_store %arg14[%swap3A], %swap3A_23 {strides = array<i32>} : memref<128xf32, #tpu.memory_space<vmem>>, vector<16xf32>,
    %swap3A_24 = arith.constant 16 : index
    %swap3A_25 = tpu.vector_load %arg14[%swap3A_24] {strides = array<i32>} : memref<128xf32, #tpu.memory_space<vmem>>, vector<16xf32>,
    %swap3A_26 = vector.shape_cast %swap3A_25 : vector<16xf32> to vector<16xf32>
    %swap3A_27 = vector.shape_cast %broadcast_in_dim3A_20 : vector<16xf32> to vector<16xf32>
    tpu.vector_store %arg14[%swap3A_24], %swap3A_27 {strides = array<i32>} : memref<128xf32, #tpu.memory_space<vmem>>, vector<16xf32>,
    %swap3A_28 = arith.constant 32 : index
    %swap3A_29 = tpu.vector_load %arg14[%swap3A_28] {strides = array<i32>} : memref<128xf32, #tpu.memory_space<vmem>>, vector<16xf32>,
    %swap3A_30 = vector.shape_cast %swap3A_29 : vector<16xf32> to vector<16xf32>
    %swap3A_31 = vector.shape_cast %broadcast_in_dim3A_20 : vector<16xf32> to vector<16xf32>
    tpu.vector_store %arg14[%swap3A_28], %swap3A_31 {strides = array<i32>} : memref<128xf32, #tpu.memory_space<vmem>>, vector<16xf32>,
    %swap3A_32 = arith.constant 48 : index
    %swap3A_33 = tpu.vector_load %arg14[%swap3A_32] {strides = array<i32>} : memref<128xf32, #tpu.memory_space<vmem>>, vector<16xf32>,
    %swap3A_34 = vector.shape_cast %swap3A_33 : vector<16xf32> to vector<16xf32>
    %swap3A_35 = vector.shape_cast %broadcast_in_dim3A_20 : vector<16xf32> to vector<16xf32>
    tpu.vector_store %arg14[%swap3A_32], %swap3A_35 {strides = array<i32>} : memref<128xf32, #tpu.memory_space<vmem>>, vector<16xf32>,
    %swap3A_36 = arith.constant 64 : index
    %swap3A_37 = tpu.vector_load %arg14[%swap3A_36] {strides = array<i32>} : memref<128xf32, #tpu.memory_space<vmem>>, vector<16xf32>,
    %swap3A_38 = vector.shape_cast %swap3A_37 : vector<16xf32> to vector<16xf32>
    %swap3A_39 = vector.shape_cast %broadcast_in_dim3A_20 : vector<16xf32> to vector<16xf32>
    tpu.vector_store %arg14[%swap3A_36], %swap3A_39 {strides = array<i32>} : memref<128xf32, #tpu.memory_space<vmem>>, vector<16xf32>,
    %swap3A_40 = arith.constant 80 : index
    %swap3A_41 = tpu.vector_load %arg14[%swap3A_40] {strides = array<i32>} : memref<128xf32, #tpu.memory_space<vmem>>, vector<16xf32>,
    %swap3A_42 = vector.shape_cast %swap3A_41 : vector<16xf32> to vector<16xf32>
    %swap3A_43 = vector.shape_cast %broadcast_in_dim3A_20 : vector<16xf32> to vector<16xf32>
    tpu.vector_store %arg14[%swap3A_40], %swap3A_43 {strides = array<i32>} : memref<128xf32, #tpu.memory_space<vmem>>, vector<16xf32>,
    %swap3A_44 = arith.constant 96 : index
    %swap3A_45 = tpu.vector_load %arg14[%swap3A_44] {strides = array<i32>} : memref<128xf32, #tpu.memory_space<vmem>>, vector<16xf32>,
    %swap3A_46 = vector.shape_cast %swap3A_45 : vector<16xf32> to vector<16xf32>
    %swap3A_47 = vector.shape_cast %broadcast_in_dim3A_20 : vector<16xf32> to vector<16xf32>
    tpu.vector_store %arg14[%swap3A_44], %swap3A_47 {strides = array<i32>} : memref<128xf32, #tpu.memory_space<vmem>>, vector<16xf32>,
    %swap3A_48 = arith.constant 112 : index
    %swap3A_49 = tpu.vector_load %arg14[%swap3A_48] {strides = array<i32>} : memref<128xf32, #tpu.memory_space<vmem>>, vector<16xf32>,
    %swap3A_50 = vector.shape_cast %swap3A_49 : vector<16xf32> to vector<16xf32>
    %swap3A_51 = vector.shape_cast %broadcast_in_dim3A_20 : vector<16xf32> to vector<16xf32>
    tpu.vector_store %arg14[%swap3A_48], %swap3A_51 {strides = array<i32>} : memref<128xf32, #tpu.memory_space<vmem>>, vector<16xf32>,
    %barrier3A = arith.constant 0 : index
    tpu.barrier barrier_id(%barrier3A)
    %mul3A_52 = arith.constant 16 : i32
    %mul3A_53 = arith.muli %arg0, %mul3A_52 : i32
    %add3A = arith.addi %mul3A_53, %arg1 : i32
    %mul3A_54 = arith.constant 80 : i32
    %mul3A_55 = arith.muli %add3A, %mul3A_54 : i32
    "tpu.region"() ({
      %run_scoped3A = tpu.sem_alloc : memref<!tpu.dma_semaphore, #tpu.memory_space<semaphore_mem>>
      %dma_start3A = arith.constant 0 : i32
      %dma_start3A_72 = tpu.memref_slice %arg3[%mul3A_55, %dma_start3A] : memref<2560x128xi32, #tpu.memory_space<hbm>> -> memref<80x128xi32, #tpu.memory_space<hbm>>
      %dma_start3A_73 = arith.constant 0 : i32
      %dma_start3A_74 = tpu.memref_slice %arg3[%mul3A_55, %dma_start3A_73] : memref<2560x128xi32, #tpu.memory_space<hbm>> -> memref<80x128xi32, #tpu.memory_space<hbm>>
      tpu.enqueue_dma source(%dma_start3A_74 : memref<80x128xi32, #tpu.memory_space<hbm>>) target(%arg7 : memref<80x128xi32, #tpu.memory_space<vmem>>) target_semaphore(%run_scoped3A : memref<!tpu.dma_semaphore, #tpu.memory_space<semaphore_mem>>)
      %dma_wait3A = arith.constant 0 : i32
      %dma_wait3A_75 = tpu.memref_slice %arg3[%mul3A_55, %dma_wait3A] : memref<2560x128xi32, #tpu.memory_space<hbm>> -> memref<80x128xi32, #tpu.memory_space<hbm>>
      %dma_wait3A_76 = arith.constant 0 : i32
      %dma_wait3A_77 = tpu.memref_slice %arg3[%mul3A_55, %dma_wait3A_76] : memref<2560x128xi32, #tpu.memory_space<hbm>> -> memref<80x128xi32, #tpu.memory_space<hbm>>
      tpu.wait_dma2 semaphore(%run_scoped3A : memref<!tpu.dma_semaphore, #tpu.memory_space<semaphore_mem>>) src(%dma_wait3A_77 : memref<80x128xi32, #tpu.memory_space<hbm>>) dst(%arg7 : memref<80x128xi32, #tpu.memory_space<vmem>>)
      tpu.yield
    }) : () -> ()
    "tpu.region"() ({
      %run_scoped3A = tpu.sem_alloc : memref<!tpu.dma_semaphore, #tpu.memory_space<semaphore_mem>>
      %dma_start3A = arith.constant 0 : i32
      %dma_start3A_72 = tpu.memref_slice %arg4[%mul3A_55, %dma_start3A] : memref<2560x128xi32, #tpu.memory_space<hbm>> -> memref<80x128xi32, #tpu.memory_space<hbm>>
      %dma_start3A_73 = arith.constant 0 : i32
      %dma_start3A_74 = tpu.memref_slice %arg4[%mul3A_55, %dma_start3A_73] : memref<2560x128xi32, #tpu.memory_space<hbm>> -> memref<80x128xi32, #tpu.memory_space<hbm>>
      tpu.enqueue_dma source(%dma_start3A_74 : memref<80x128xi32, #tpu.memory_space<hbm>>) target(%arg8 : memref<80x128xi32, #tpu.memory_space<vmem>>) target_semaphore(%run_scoped3A : memref<!tpu.dma_semaphore, #tpu.memory_space<semaphore_mem>>)
      %dma_wait3A = arith.constant 0 : i32
      %dma_wait3A_75 = tpu.memref_slice %arg4[%mul3A_55, %dma_wait3A] : memref<2560x128xi32, #tpu.memory_space<hbm>> -> memref<80x128xi32, #tpu.memory_space<hbm>>
      %dma_wait3A_76 = arith.constant 0 : i32
      %dma_wait3A_77 = tpu.memref_slice %arg4[%mul3A_55, %dma_wait3A_76] : memref<2560x128xi32, #tpu.memory_space<hbm>> -> memref<80x128xi32, #tpu.memory_space<hbm>>
      tpu.wait_dma2 semaphore(%run_scoped3A : memref<!tpu.dma_semaphore, #tpu.memory_space<semaphore_mem>>) src(%dma_wait3A_77 : memref<80x128xi32, #tpu.memory_space<hbm>>) dst(%arg8 : memref<80x128xi32, #tpu.memory_space<vmem>>)
      tpu.yield
    }) : () -> ()
    %scan3A_56 = arith.constant 0 : i32
    %scan3A_57 = arith.constant 0 : i32
    %scan3A_58 = arith.constant 20 : i32
    %scan3A_59 = arith.addi %scan3A_57, %scan3A_58 : i32
    %scan3A_60 = arith.constant 1 : i32
    scf.for %scan3A_72 = %scan3A_57 to %scan3A_59 step %scan3A_60  : i32 {
      %mul3A_73 = arith.constant 4 : i32
      %mul3A_74 = arith.muli %scan3A_72, %mul3A_73 : i32
      %add3A_75 = arith.constant 0 : i32
      %add3A_76 = arith.addi %mul3A_74, %add3A_75 : i32
      %dma_start3A = arith.constant 0 : i32
      %dma_start3A_77 = arith.constant 0 : i32
      %dma_start3A_78 = tpu.memref_slice %arg9[%dma_start3A, %dma_start3A_77] : memref<512x64xf32, #tpu.memory_space<vmem>> -> memref<128x64xf32, #tpu.memory_space<vmem>>
      %dma_start3A_79 = arith.constant 0 : i32
      %dma_start3A_80 = tpu.memref_slice %arg7[%add3A_76, %dma_start3A_79] : memref<80x128xi32, #tpu.memory_space<vmem>> -> memref<1x128xi32, #tpu.memory_space<vmem>>
      %dma_start3A_81 = tpu.memref_squeeze %dma_start3A_80 : memref<1x128xi32, #tpu.memory_space<vmem>> -> memref<128xi32, #tpu.memory_space<vmem>>
      %dma_start3A_82 = arith.constant 0 : i32
      %dma_start3A_83 = arith.constant 0 : i32
      %dma_start3A_84 = tpu.memref_slice %arg2[%dma_start3A_82, %dma_start3A_83] : memref<10240x64xf32, #tpu.memory_space<hbm>> -> memref<10240x64xf32, #tpu.memory_space<hbm>>
      tpu.enqueue_indirect_dma source(%dma_start3A_84 : memref<10240x64xf32, #tpu.memory_space<hbm>>) target(%dma_start3A_78 : memref<128x64xf32, #tpu.memory_space<vmem>>) offsets(%dma_start3A_81 : memref<128xi32, #tpu.memory_space<vmem>>) semaphore(%arg12 : memref<!tpu.dma_semaphore, #tpu.memory_space<semaphore_mem>>)
      %dma_wait3A = arith.constant 0 : i32
      %dma_wait3A_85 = arith.constant 0 : i32
      %dma_wait3A_86 = tpu.memref_slice %arg9[%dma_wait3A, %dma_wait3A_85] : memref<512x64xf32, #tpu.memory_space<vmem>> -> memref<128x64xf32, #tpu.memory_space<vmem>>
      %dma_wait3A_87 = arith.constant 0 : i32
      %dma_wait3A_88 = tpu.memref_slice %arg7[%add3A_76, %dma_wait3A_87] : memref<80x128xi32, #tpu.memory_space<vmem>> -> memref<1x128xi32, #tpu.memory_space<vmem>>
      %dma_wait3A_89 = tpu.memref_squeeze %dma_wait3A_88 : memref<1x128xi32, #tpu.memory_space<vmem>> -> memref<128xi32, #tpu.memory_space<vmem>>
      %dma_wait3A_90 = arith.constant 0 : i32
      %dma_wait3A_91 = arith.constant 0 : i32
      %dma_wait3A_92 = tpu.memref_slice %arg2[%dma_wait3A_90, %dma_wait3A_91] : memref<10240x64xf32, #tpu.memory_space<hbm>> -> memref<10240x64xf32, #tpu.memory_space<hbm>>
      tpu.wait_indirect_dma semaphore(%arg12 : memref<!tpu.dma_semaphore, #tpu.memory_space<semaphore_mem>>) src(%dma_wait3A_92 : memref<10240x64xf32, #tpu.memory_space<hbm>>) dst(%dma_wait3A_86 : memref<128x64xf32, #tpu.memory_space<vmem>>)
      "tpu.region"() ({
        %run_scoped3A = tpu.sem_alloc : memref<!tpu.dma_semaphore, #tpu.memory_space<semaphore_mem>>
        %dma_start3A_159 = arith.constant 0 : i32
        %dma_start3A_160 = arith.constant 0 : i32
        %dma_start3A_161 = tpu.memref_slice %arg9[%dma_start3A_159, %dma_start3A_160] : memref<512x64xf32, #tpu.memory_space<vmem>> -> memref<128x64xf32, #tpu.memory_space<vmem>>
        %dma_start3A_162 = arith.constant 0 : i32
        %dma_start3A_163 = tpu.memref_slice %arg8[%add3A_76, %dma_start3A_162] : memref<80x128xi32, #tpu.memory_space<vmem>> -> memref<1x128xi32, #tpu.memory_space<vmem>>
        %dma_start3A_164 = tpu.memref_squeeze %dma_start3A_163 : memref<1x128xi32, #tpu.memory_space<vmem>> -> memref<128xi32, #tpu.memory_space<vmem>>
        %dma_start3A_165 = arith.constant 0 : i32
        %dma_start3A_166 = arith.constant 0 : i32
        %dma_start3A_167 = tpu.memref_slice %arg11[%dma_start3A_165, %dma_start3A_166] : memref<10240x64xf32, #tpu.memory_space<vmem_shared>> -> memref<10240x64xf32, #tpu.memory_space<vmem_shared>>
        tpu.enqueue_indirect_dma source(%dma_start3A_161 : memref<128x64xf32, #tpu.memory_space<vmem>>) target(%dma_start3A_167 : memref<10240x64xf32, #tpu.memory_space<vmem_shared>>) offsets(%dma_start3A_164 : memref<128xi32, #tpu.memory_space<vmem>>) semaphore(%run_scoped3A : memref<!tpu.dma_semaphore, #tpu.memory_space<semaphore_mem>>) {add = true}
        %dma_wait3A_168 = arith.constant 0 : i32
        %dma_wait3A_169 = arith.constant 0 : i32
        %dma_wait3A_170 = tpu.memref_slice %arg9[%dma_wait3A_168, %dma_wait3A_169] : memref<512x64xf32, #tpu.memory_space<vmem>> -> memref<128x64xf32, #tpu.memory_space<vmem>>
        %dma_wait3A_171 = arith.constant 0 : i32
        %dma_wait3A_172 = tpu.memref_slice %arg8[%add3A_76, %dma_wait3A_171] : memref<80x128xi32, #tpu.memory_space<vmem>> -> memref<1x128xi32, #tpu.memory_space<vmem>>
        %dma_wait3A_173 = tpu.memref_squeeze %dma_wait3A_172 : memref<1x128xi32, #tpu.memory_space<vmem>> -> memref<128xi32, #tpu.memory_space<vmem>>
        %dma_wait3A_174 = arith.constant 0 : i32
        %dma_wait3A_175 = arith.constant 0 : i32
        %dma_wait3A_176 = tpu.memref_slice %arg11[%dma_wait3A_174, %dma_wait3A_175] : memref<10240x64xf32, #tpu.memory_space<vmem_shared>> -> memref<10240x64xf32, #tpu.memory_space<vmem_shared>>
        tpu.wait_indirect_dma semaphore(%run_scoped3A : memref<!tpu.dma_semaphore, #tpu.memory_space<semaphore_mem>>) src(%dma_wait3A_170 : memref<128x64xf32, #tpu.memory_space<vmem>>) dst(%dma_wait3A_176 : memref<10240x64xf32, #tpu.memory_space<vmem_shared>>)
        tpu.yield
      }) : () -> ()
      "tpu.region"() ({
        %run_scoped3A = tpu.sem_alloc : memref<!tpu.dma_semaphore, #tpu.memory_space<semaphore_mem>>
        %dma_start3A_159 = arith.constant 0 : i32
        %dma_start3A_160 = tpu.memref_slice %arg8[%add3A_76, %dma_start3A_159] : memref<80x128xi32, #tpu.memory_space<vmem>> -> memref<1x128xi32, #tpu.memory_space<vmem>>
        %dma_start3A_161 = tpu.memref_squeeze %dma_start3A_160 : memref<1x128xi32, #tpu.memory_space<vmem>> -> memref<128xi32, #tpu.memory_space<vmem>>
        %dma_start3A_162 = arith.constant 0 : i32
        %dma_start3A_163 = tpu.memref_slice %arg15[%dma_start3A_162] : memref<10240xf32, #tpu.memory_space<vmem_shared>> -> memref<10240xf32, #tpu.memory_space<vmem_shared>>
        tpu.enqueue_indirect_dma source(%arg14 : memref<128xf32, #tpu.memory_space<vmem>>) target(%dma_start3A_163 : memref<10240xf32, #tpu.memory_space<vmem_shared>>) offsets(%dma_start3A_161 : memref<128xi32, #tpu.memory_space<vmem>>) semaphore(%run_scoped3A : memref<!tpu.dma_semaphore, #tpu.memory_space<semaphore_mem>>) {add = true}
        %dma_wait3A_164 = arith.constant 0 : i32
        %dma_wait3A_165 = tpu.memref_slice %arg8[%add3A_76, %dma_wait3A_164] : memref<80x128xi32, #tpu.memory_space<vmem>> -> memref<1x128xi32, #tpu.memory_space<vmem>>
        %dma_wait3A_166 = tpu.memref_squeeze %dma_wait3A_165 : memref<1x128xi32, #tpu.memory_space<vmem>> -> memref<128xi32, #tpu.memory_space<vmem>>
        %dma_wait3A_167 = arith.constant 0 : i32
        %dma_wait3A_168 = tpu.memref_slice %arg15[%dma_wait3A_167] : memref<10240xf32, #tpu.memory_space<vmem_shared>> -> memref<10240xf32, #tpu.memory_space<vmem_shared>>
        tpu.wait_indirect_dma semaphore(%run_scoped3A : memref<!tpu.dma_semaphore, #tpu.memory_space<semaphore_mem>>) src(%arg14 : memref<128xf32, #tpu.memory_space<vmem>>) dst(%dma_wait3A_168 : memref<10240xf32, #tpu.memory_space<vmem_shared>>)
        tpu.yield
      }) : () -> ()
      %mul3A_93 = arith.constant 4 : i32
      %mul3A_94 = arith.muli %scan3A_72, %mul3A_93 : i32
      %add3A_95 = arith.constant 1 : i32
      %add3A_96 = arith.addi %mul3A_94, %add3A_95 : i32
      %dma_start3A_97 = arith.constant 128 : i32
      %dma_start3A_98 = arith.constant 0 : i32
      %dma_start3A_99 = tpu.memref_slice %arg9[%dma_start3A_97, %dma_start3A_98] : memref<512x64xf32, #tpu.memory_space<vmem>> -> memref<128x64xf32, #tpu.memory_space<vmem>>
      %dma_start3A_100 = arith.constant 0 : i32
      %dma_start3A_101 = tpu.memref_slice %arg7[%add3A_96, %dma_start3A_100] : memref<80x128xi32, #tpu.memory_space<vmem>> -> memref<1x128xi32, #tpu.memory_space<vmem>>
      %dma_start3A_102 = tpu.memref_squeeze %dma_start3A_101 : memref<1x128xi32, #tpu.memory_space<vmem>> -> memref<128xi32, #tpu.memory_space<vmem>>
      %dma_start3A_103 = arith.constant 0 : i32
      %dma_start3A_104 = arith.constant 0 : i32
      %dma_start3A_105 = tpu.memref_slice %arg2[%dma_start3A_103, %dma_start3A_104] : memref<10240x64xf32, #tpu.memory_space<hbm>> -> memref<10240x64xf32, #tpu.memory_space<hbm>>
      tpu.enqueue_indirect_dma source(%dma_start3A_105 : memref<10240x64xf32, #tpu.memory_space<hbm>>) target(%dma_start3A_99 : memref<128x64xf32, #tpu.memory_space<vmem>>) offsets(%dma_start3A_102 : memref<128xi32, #tpu.memory_space<vmem>>) semaphore(%arg12 : memref<!tpu.dma_semaphore, #tpu.memory_space<semaphore_mem>>)
      %dma_wait3A_106 = arith.constant 128 : i32
      %dma_wait3A_107 = arith.constant 0 : i32
      %dma_wait3A_108 = tpu.memref_slice %arg9[%dma_wait3A_106, %dma_wait3A_107] : memref<512x64xf32, #tpu.memory_space<vmem>> -> memref<128x64xf32, #tpu.memory_space<vmem>>
      %dma_wait3A_109 = arith.constant 0 : i32
      %dma_wait3A_110 = tpu.memref_slice %arg7[%add3A_96, %dma_wait3A_109] : memref<80x128xi32, #tpu.memory_space<vmem>> -> memref<1x128xi32, #tpu.memory_space<vmem>>
      %dma_wait3A_111 = tpu.memref_squeeze %dma_wait3A_110 : memref<1x128xi32, #tpu.memory_space<vmem>> -> memref<128xi32, #tpu.memory_space<vmem>>
      %dma_wait3A_112 = arith.constant 0 : i32
      %dma_wait3A_113 = arith.constant 0 : i32
      %dma_wait3A_114 = tpu.memref_slice %arg2[%dma_wait3A_112, %dma_wait3A_113] : memref<10240x64xf32, #tpu.memory_space<hbm>> -> memref<10240x64xf32, #tpu.memory_space<hbm>>
      tpu.wait_indirect_dma semaphore(%arg12 : memref<!tpu.dma_semaphore, #tpu.memory_space<semaphore_mem>>) src(%dma_wait3A_114 : memref<10240x64xf32, #tpu.memory_space<hbm>>) dst(%dma_wait3A_108 : memref<128x64xf32, #tpu.memory_space<vmem>>)
      "tpu.region"() ({
        %run_scoped3A = tpu.sem_alloc : memref<!tpu.dma_semaphore, #tpu.memory_space<semaphore_mem>>
        %dma_start3A_159 = arith.constant 128 : i32
        %dma_start3A_160 = arith.constant 0 : i32
        %dma_start3A_161 = tpu.memref_slice %arg9[%dma_start3A_159, %dma_start3A_160] : memref<512x64xf32, #tpu.memory_space<vmem>> -> memref<128x64xf32, #tpu.memory_space<vmem>>
        %dma_start3A_162 = arith.constant 0 : i32
        %dma_start3A_163 = tpu.memref_slice %arg8[%add3A_96, %dma_start3A_162] : memref<80x128xi32, #tpu.memory_space<vmem>> -> memref<1x128xi32, #tpu.memory_space<vmem>>
        %dma_start3A_164 = tpu.memref_squeeze %dma_start3A_163 : memref<1x128xi32, #tpu.memory_space<vmem>> -> memref<128xi32, #tpu.memory_space<vmem>>
        %dma_start3A_165 = arith.constant 0 : i32
        %dma_start3A_166 = arith.constant 0 : i32
        %dma_start3A_167 = tpu.memref_slice %arg11[%dma_start3A_165, %dma_start3A_166] : memref<10240x64xf32, #tpu.memory_space<vmem_shared>> -> memref<10240x64xf32, #tpu.memory_space<vmem_shared>>
        tpu.enqueue_indirect_dma source(%dma_start3A_161 : memref<128x64xf32, #tpu.memory_space<vmem>>) target(%dma_start3A_167 : memref<10240x64xf32, #tpu.memory_space<vmem_shared>>) offsets(%dma_start3A_164 : memref<128xi32, #tpu.memory_space<vmem>>) semaphore(%run_scoped3A : memref<!tpu.dma_semaphore, #tpu.memory_space<semaphore_mem>>) {add = true}
        %dma_wait3A_168 = arith.constant 128 : i32
        %dma_wait3A_169 = arith.constant 0 : i32
        %dma_wait3A_170 = tpu.memref_slice %arg9[%dma_wait3A_168, %dma_wait3A_169] : memref<512x64xf32, #tpu.memory_space<vmem>> -> memref<128x64xf32, #tpu.memory_space<vmem>>
        %dma_wait3A_171 = arith.constant 0 : i32
        %dma_wait3A_172 = tpu.memref_slice %arg8[%add3A_96, %dma_wait3A_171] : memref<80x128xi32, #tpu.memory_space<vmem>> -> memref<1x128xi32, #tpu.memory_space<vmem>>
        %dma_wait3A_173 = tpu.memref_squeeze %dma_wait3A_172 : memref<1x128xi32, #tpu.memory_space<vmem>> -> memref<128xi32, #tpu.memory_space<vmem>>
        %dma_wait3A_174 = arith.constant 0 : i32
        %dma_wait3A_175 = arith.constant 0 : i32
        %dma_wait3A_176 = tpu.memref_slice %arg11[%dma_wait3A_174, %dma_wait3A_175] : memref<10240x64xf32, #tpu.memory_space<vmem_shared>> -> memref<10240x64xf32, #tpu.memory_space<vmem_shared>>
        tpu.wait_indirect_dma semaphore(%run_scoped3A : memref<!tpu.dma_semaphore, #tpu.memory_space<semaphore_mem>>) src(%dma_wait3A_170 : memref<128x64xf32, #tpu.memory_space<vmem>>) dst(%dma_wait3A_176 : memref<10240x64xf32, #tpu.memory_space<vmem_shared>>)
        tpu.yield
      }) : () -> ()
      "tpu.region"() ({
        %run_scoped3A = tpu.sem_alloc : memref<!tpu.dma_semaphore, #tpu.memory_space<semaphore_mem>>
        %dma_start3A_159 = arith.constant 0 : i32
        %dma_start3A_160 = tpu.memref_slice %arg8[%add3A_96, %dma_start3A_159] : memref<80x128xi32, #tpu.memory_space<vmem>> -> memref<1x128xi32, #tpu.memory_space<vmem>>
        %dma_start3A_161 = tpu.memref_squeeze %dma_start3A_160 : memref<1x128xi32, #tpu.memory_space<vmem>> -> memref<128xi32, #tpu.memory_space<vmem>>
        %dma_start3A_162 = arith.constant 0 : i32
        %dma_start3A_163 = tpu.memref_slice %arg15[%dma_start3A_162] : memref<10240xf32, #tpu.memory_space<vmem_shared>> -> memref<10240xf32, #tpu.memory_space<vmem_shared>>
        tpu.enqueue_indirect_dma source(%arg14 : memref<128xf32, #tpu.memory_space<vmem>>) target(%dma_start3A_163 : memref<10240xf32, #tpu.memory_space<vmem_shared>>) offsets(%dma_start3A_161 : memref<128xi32, #tpu.memory_space<vmem>>) semaphore(%run_scoped3A : memref<!tpu.dma_semaphore, #tpu.memory_space<semaphore_mem>>) {add = true}
        %dma_wait3A_164 = arith.constant 0 : i32
        %dma_wait3A_165 = tpu.memref_slice %arg8[%add3A_96, %dma_wait3A_164] : memref<80x128xi32, #tpu.memory_space<vmem>> -> memref<1x128xi32, #tpu.memory_space<vmem>>
        %dma_wait3A_166 = tpu.memref_squeeze %dma_wait3A_165 : memref<1x128xi32, #tpu.memory_space<vmem>> -> memref<128xi32, #tpu.memory_space<vmem>>
        %dma_wait3A_167 = arith.constant 0 : i32
        %dma_wait3A_168 = tpu.memref_slice %arg15[%dma_wait3A_167] : memref<10240xf32, #tpu.memory_space<vmem_shared>> -> memref<10240xf32, #tpu.memory_space<vmem_shared>>
        tpu.wait_indirect_dma semaphore(%run_scoped3A : memref<!tpu.dma_semaphore, #tpu.memory_space<semaphore_mem>>) src(%arg14 : memref<128xf32, #tpu.memory_space<vmem>>) dst(%dma_wait3A_168 : memref<10240xf32, #tpu.memory_space<vmem_shared>>)
        tpu.yield
      }) : () -> ()
      %mul3A_115 = arith.constant 4 : i32
      %mul3A_116 = arith.muli %scan3A_72, %mul3A_115 : i32
      %add3A_117 = arith.constant 2 : i32
      %add3A_118 = arith.addi %mul3A_116, %add3A_117 : i32
      %dma_start3A_119 = arith.constant 256 : i32
      %dma_start3A_120 = arith.constant 0 : i32
      %dma_start3A_121 = tpu.memref_slice %arg9[%dma_start3A_119, %dma_start3A_120] : memref<512x64xf32, #tpu.memory_space<vmem>> -> memref<128x64xf32, #tpu.memory_space<vmem>>
      %dma_start3A_122 = arith.constant 0 : i32
      %dma_start3A_123 = tpu.memref_slice %arg7[%add3A_118, %dma_start3A_122] : memref<80x128xi32, #tpu.memory_space<vmem>> -> memref<1x128xi32, #tpu.memory_space<vmem>>
      %dma_start3A_124 = tpu.memref_squeeze %dma_start3A_123 : memref<1x128xi32, #tpu.memory_space<vmem>> -> memref<128xi32, #tpu.memory_space<vmem>>
      %dma_start3A_125 = arith.constant 0 : i32
      %dma_start3A_126 = arith.constant 0 : i32
      %dma_start3A_127 = tpu.memref_slice %arg2[%dma_start3A_125, %dma_start3A_126] : memref<10240x64xf32, #tpu.memory_space<hbm>> -> memref<10240x64xf32, #tpu.memory_space<hbm>>
      tpu.enqueue_indirect_dma source(%dma_start3A_127 : memref<10240x64xf32, #tpu.memory_space<hbm>>) target(%dma_start3A_121 : memref<128x64xf32, #tpu.memory_space<vmem>>) offsets(%dma_start3A_124 : memref<128xi32, #tpu.memory_space<vmem>>) semaphore(%arg12 : memref<!tpu.dma_semaphore, #tpu.memory_space<semaphore_mem>>)
      %dma_wait3A_128 = arith.constant 256 : i32
      %dma_wait3A_129 = arith.constant 0 : i32
      %dma_wait3A_130 = tpu.memref_slice %arg9[%dma_wait3A_128, %dma_wait3A_129] : memref<512x64xf32, #tpu.memory_space<vmem>> -> memref<128x64xf32, #tpu.memory_space<vmem>>
      %dma_wait3A_131 = arith.constant 0 : i32
      %dma_wait3A_132 = tpu.memref_slice %arg7[%add3A_118, %dma_wait3A_131] : memref<80x128xi32, #tpu.memory_space<vmem>> -> memref<1x128xi32, #tpu.memory_space<vmem>>
      %dma_wait3A_133 = tpu.memref_squeeze %dma_wait3A_132 : memref<1x128xi32, #tpu.memory_space<vmem>> -> memref<128xi32, #tpu.memory_space<vmem>>
      %dma_wait3A_134 = arith.constant 0 : i32
      %dma_wait3A_135 = arith.constant 0 : i32
      %dma_wait3A_136 = tpu.memref_slice %arg2[%dma_wait3A_134, %dma_wait3A_135] : memref<10240x64xf32, #tpu.memory_space<hbm>> -> memref<10240x64xf32, #tpu.memory_space<hbm>>
      tpu.wait_indirect_dma semaphore(%arg12 : memref<!tpu.dma_semaphore, #tpu.memory_space<semaphore_mem>>) src(%dma_wait3A_136 : memref<10240x64xf32, #tpu.memory_space<hbm>>) dst(%dma_wait3A_130 : memref<128x64xf32, #tpu.memory_space<vmem>>)
      "tpu.region"() ({
        %run_scoped3A = tpu.sem_alloc : memref<!tpu.dma_semaphore, #tpu.memory_space<semaphore_mem>>
        %dma_start3A_159 = arith.constant 256 : i32
        %dma_start3A_160 = arith.constant 0 : i32
        %dma_start3A_161 = tpu.memref_slice %arg9[%dma_start3A_159, %dma_start3A_160] : memref<512x64xf32, #tpu.memory_space<vmem>> -> memref<128x64xf32, #tpu.memory_space<vmem>>
        %dma_start3A_162 = arith.constant 0 : i32
        %dma_start3A_163 = tpu.memref_slice %arg8[%add3A_118, %dma_start3A_162] : memref<80x128xi32, #tpu.memory_space<vmem>> -> memref<1x128xi32, #tpu.memory_space<vmem>>
        %dma_start3A_164 = tpu.memref_squeeze %dma_start3A_163 : memref<1x128xi32, #tpu.memory_space<vmem>> -> memref<128xi32, #tpu.memory_space<vmem>>
        %dma_start3A_165 = arith.constant 0 : i32
        %dma_start3A_166 = arith.constant 0 : i32
        %dma_start3A_167 = tpu.memref_slice %arg11[%dma_start3A_165, %dma_start3A_166] : memref<10240x64xf32, #tpu.memory_space<vmem_shared>> -> memref<10240x64xf32, #tpu.memory_space<vmem_shared>>
        tpu.enqueue_indirect_dma source(%dma_start3A_161 : memref<128x64xf32, #tpu.memory_space<vmem>>) target(%dma_start3A_167 : memref<10240x64xf32, #tpu.memory_space<vmem_shared>>) offsets(%dma_start3A_164 : memref<128xi32, #tpu.memory_space<vmem>>) semaphore(%run_scoped3A : memref<!tpu.dma_semaphore, #tpu.memory_space<semaphore_mem>>) {add = true}
        %dma_wait3A_168 = arith.constant 256 : i32
        %dma_wait3A_169 = arith.constant 0 : i32
        %dma_wait3A_170 = tpu.memref_slice %arg9[%dma_wait3A_168, %dma_wait3A_169] : memref<512x64xf32, #tpu.memory_space<vmem>> -> memref<128x64xf32, #tpu.memory_space<vmem>>
        %dma_wait3A_171 = arith.constant 0 : i32
        %dma_wait3A_172 = tpu.memref_slice %arg8[%add3A_118, %dma_wait3A_171] : memref<80x128xi32, #tpu.memory_space<vmem>> -> memref<1x128xi32, #tpu.memory_space<vmem>>
        %dma_wait3A_173 = tpu.memref_squeeze %dma_wait3A_172 : memref<1x128xi32, #tpu.memory_space<vmem>> -> memref<128xi32, #tpu.memory_space<vmem>>
        %dma_wait3A_174 = arith.constant 0 : i32
        %dma_wait3A_175 = arith.constant 0 : i32
        %dma_wait3A_176 = tpu.memref_slice %arg11[%dma_wait3A_174, %dma_wait3A_175] : memref<10240x64xf32, #tpu.memory_space<vmem_shared>> -> memref<10240x64xf32, #tpu.memory_space<vmem_shared>>
        tpu.wait_indirect_dma semaphore(%run_scoped3A : memref<!tpu.dma_semaphore, #tpu.memory_space<semaphore_mem>>) src(%dma_wait3A_170 : memref<128x64xf32, #tpu.memory_space<vmem>>) dst(%dma_wait3A_176 : memref<10240x64xf32, #tpu.memory_space<vmem_shared>>)
        tpu.yield
      }) : () -> ()
      "tpu.region"() ({
        %run_scoped3A = tpu.sem_alloc : memref<!tpu.dma_semaphore, #tpu.memory_space<semaphore_mem>>
        %dma_start3A_159 = arith.constant 0 : i32
        %dma_start3A_160 = tpu.memref_slice %arg8[%add3A_118, %dma_start3A_159] : memref<80x128xi32, #tpu.memory_space<vmem>> -> memref<1x128xi32, #tpu.memory_space<vmem>>
        %dma_start3A_161 = tpu.memref_squeeze %dma_start3A_160 : memref<1x128xi32, #tpu.memory_space<vmem>> -> memref<128xi32, #tpu.memory_space<vmem>>
        %dma_start3A_162 = arith.constant 0 : i32
        %dma_start3A_163 = tpu.memref_slice %arg15[%dma_start3A_162] : memref<10240xf32, #tpu.memory_space<vmem_shared>> -> memref<10240xf32, #tpu.memory_space<vmem_shared>>
        tpu.enqueue_indirect_dma source(%arg14 : memref<128xf32, #tpu.memory_space<vmem>>) target(%dma_start3A_163 : memref<10240xf32, #tpu.memory_space<vmem_shared>>) offsets(%dma_start3A_161 : memref<128xi32, #tpu.memory_space<vmem>>) semaphore(%run_scoped3A : memref<!tpu.dma_semaphore, #tpu.memory_space<semaphore_mem>>) {add = true}
        %dma_wait3A_164 = arith.constant 0 : i32
        %dma_wait3A_165 = tpu.memref_slice %arg8[%add3A_118, %dma_wait3A_164] : memref<80x128xi32, #tpu.memory_space<vmem>> -> memref<1x128xi32, #tpu.memory_space<vmem>>
        %dma_wait3A_166 = tpu.memref_squeeze %dma_wait3A_165 : memref<1x128xi32, #tpu.memory_space<vmem>> -> memref<128xi32, #tpu.memory_space<vmem>>
        %dma_wait3A_167 = arith.constant 0 : i32
        %dma_wait3A_168 = tpu.memref_slice %arg15[%dma_wait3A_167] : memref<10240xf32, #tpu.memory_space<vmem_shared>> -> memref<10240xf32, #tpu.memory_space<vmem_shared>>
        tpu.wait_indirect_dma semaphore(%run_scoped3A : memref<!tpu.dma_semaphore, #tpu.memory_space<semaphore_mem>>) src(%arg14 : memref<128xf32, #tpu.memory_space<vmem>>) dst(%dma_wait3A_168 : memref<10240xf32, #tpu.memory_space<vmem_shared>>)
        tpu.yield
      }) : () -> ()
      %mul3A_137 = arith.constant 4 : i32
      %mul3A_138 = arith.muli %scan3A_72, %mul3A_137 : i32
      %add3A_139 = arith.constant 3 : i32
      %add3A_140 = arith.addi %mul3A_138, %add3A_139 : i32
      %dma_start3A_141 = arith.constant 384 : i32
      %dma_start3A_142 = arith.constant 0 : i32
      %dma_start3A_143 = tpu.memref_slice %arg9[%dma_start3A_141, %dma_start3A_142] : memref<512x64xf32, #tpu.memory_space<vmem>> -> memref<128x64xf32, #tpu.memory_space<vmem>>
      %dma_start3A_144 = arith.constant 0 : i32
      %dma_start3A_145 = tpu.memref_slice %arg7[%add3A_140, %dma_start3A_144] : memref<80x128xi32, #tpu.memory_space<vmem>> -> memref<1x128xi32, #tpu.memory_space<vmem>>
      %dma_start3A_146 = tpu.memref_squeeze %dma_start3A_145 : memref<1x128xi32, #tpu.memory_space<vmem>> -> memref<128xi32, #tpu.memory_space<vmem>>
      %dma_start3A_147 = arith.constant 0 : i32
      %dma_start3A_148 = arith.constant 0 : i32
      %dma_start3A_149 = tpu.memref_slice %arg2[%dma_start3A_147, %dma_start3A_148] : memref<10240x64xf32, #tpu.memory_space<hbm>> -> memref<10240x64xf32, #tpu.memory_space<hbm>>
      tpu.enqueue_indirect_dma source(%dma_start3A_149 : memref<10240x64xf32, #tpu.memory_space<hbm>>) target(%dma_start3A_143 : memref<128x64xf32, #tpu.memory_space<vmem>>) offsets(%dma_start3A_146 : memref<128xi32, #tpu.memory_space<vmem>>) semaphore(%arg12 : memref<!tpu.dma_semaphore, #tpu.memory_space<semaphore_mem>>)
      %dma_wait3A_150 = arith.constant 384 : i32
      %dma_wait3A_151 = arith.constant 0 : i32
      %dma_wait3A_152 = tpu.memref_slice %arg9[%dma_wait3A_150, %dma_wait3A_151] : memref<512x64xf32, #tpu.memory_space<vmem>> -> memref<128x64xf32, #tpu.memory_space<vmem>>
      %dma_wait3A_153 = arith.constant 0 : i32
      %dma_wait3A_154 = tpu.memref_slice %arg7[%add3A_140, %dma_wait3A_153] : memref<80x128xi32, #tpu.memory_space<vmem>> -> memref<1x128xi32, #tpu.memory_space<vmem>>
      %dma_wait3A_155 = tpu.memref_squeeze %dma_wait3A_154 : memref<1x128xi32, #tpu.memory_space<vmem>> -> memref<128xi32, #tpu.memory_space<vmem>>
      %dma_wait3A_156 = arith.constant 0 : i32
      %dma_wait3A_157 = arith.constant 0 : i32
      %dma_wait3A_158 = tpu.memref_slice %arg2[%dma_wait3A_156, %dma_wait3A_157] : memref<10240x64xf32, #tpu.memory_space<hbm>> -> memref<10240x64xf32, #tpu.memory_space<hbm>>
      tpu.wait_indirect_dma semaphore(%arg12 : memref<!tpu.dma_semaphore, #tpu.memory_space<semaphore_mem>>) src(%dma_wait3A_158 : memref<10240x64xf32, #tpu.memory_space<hbm>>) dst(%dma_wait3A_152 : memref<128x64xf32, #tpu.memory_space<vmem>>)
      "tpu.region"() ({
        %run_scoped3A = tpu.sem_alloc : memref<!tpu.dma_semaphore, #tpu.memory_space<semaphore_mem>>
        %dma_start3A_159 = arith.constant 384 : i32
        %dma_start3A_160 = arith.constant 0 : i32
        %dma_start3A_161 = tpu.memref_slice %arg9[%dma_start3A_159, %dma_start3A_160] : memref<512x64xf32, #tpu.memory_space<vmem>> -> memref<128x64xf32, #tpu.memory_space<vmem>>
        %dma_start3A_162 = arith.constant 0 : i32
        %dma_start3A_163 = tpu.memref_slice %arg8[%add3A_140, %dma_start3A_162] : memref<80x128xi32, #tpu.memory_space<vmem>> -> memref<1x128xi32, #tpu.memory_space<vmem>>
        %dma_start3A_164 = tpu.memref_squeeze %dma_start3A_163 : memref<1x128xi32, #tpu.memory_space<vmem>> -> memref<128xi32, #tpu.memory_space<vmem>>
        %dma_start3A_165 = arith.constant 0 : i32
        %dma_start3A_166 = arith.constant 0 : i32
        %dma_start3A_167 = tpu.memref_slice %arg11[%dma_start3A_165, %dma_start3A_166] : memref<10240x64xf32, #tpu.memory_space<vmem_shared>> -> memref<10240x64xf32, #tpu.memory_space<vmem_shared>>
        tpu.enqueue_indirect_dma source(%dma_start3A_161 : memref<128x64xf32, #tpu.memory_space<vmem>>) target(%dma_start3A_167 : memref<10240x64xf32, #tpu.memory_space<vmem_shared>>) offsets(%dma_start3A_164 : memref<128xi32, #tpu.memory_space<vmem>>) semaphore(%run_scoped3A : memref<!tpu.dma_semaphore, #tpu.memory_space<semaphore_mem>>) {add = true}
        %dma_wait3A_168 = arith.constant 384 : i32
        %dma_wait3A_169 = arith.constant 0 : i32
        %dma_wait3A_170 = tpu.memref_slice %arg9[%dma_wait3A_168, %dma_wait3A_169] : memref<512x64xf32, #tpu.memory_space<vmem>> -> memref<128x64xf32, #tpu.memory_space<vmem>>
        %dma_wait3A_171 = arith.constant 0 : i32
        %dma_wait3A_172 = tpu.memref_slice %arg8[%add3A_140, %dma_wait3A_171] : memref<80x128xi32, #tpu.memory_space<vmem>> -> memref<1x128xi32, #tpu.memory_space<vmem>>
        %dma_wait3A_173 = tpu.memref_squeeze %dma_wait3A_172 : memref<1x128xi32, #tpu.memory_space<vmem>> -> memref<128xi32, #tpu.memory_space<vmem>>
        %dma_wait3A_174 = arith.constant 0 : i32
        %dma_wait3A_175 = arith.constant 0 : i32
        %dma_wait3A_176 = tpu.memref_slice %arg11[%dma_wait3A_174, %dma_wait3A_175] : memref<10240x64xf32, #tpu.memory_space<vmem_shared>> -> memref<10240x64xf32, #tpu.memory_space<vmem_shared>>
        tpu.wait_indirect_dma semaphore(%run_scoped3A : memref<!tpu.dma_semaphore, #tpu.memory_space<semaphore_mem>>) src(%dma_wait3A_170 : memref<128x64xf32, #tpu.memory_space<vmem>>) dst(%dma_wait3A_176 : memref<10240x64xf32, #tpu.memory_space<vmem_shared>>)
        tpu.yield
      }) : () -> ()
      "tpu.region"() ({
        %run_scoped3A = tpu.sem_alloc : memref<!tpu.dma_semaphore, #tpu.memory_space<semaphore_mem>>
        %dma_start3A_159 = arith.constant 0 : i32
        %dma_start3A_160 = tpu.memref_slice %arg8[%add3A_140, %dma_start3A_159] : memref<80x128xi32, #tpu.memory_space<vmem>> -> memref<1x128xi32, #tpu.memory_space<vmem>>
        %dma_start3A_161 = tpu.memref_squeeze %dma_start3A_160 : memref<1x128xi32, #tpu.memory_space<vmem>> -> memref<128xi32, #tpu.memory_space<vmem>>
        %dma_start3A_162 = arith.constant 0 : i32
        %dma_start3A_163 = tpu.memref_slice %arg15[%dma_start3A_162] : memref<10240xf32, #tpu.memory_space<vmem_shared>> -> memref<10240xf32, #tpu.memory_space<vmem_shared>>
        tpu.enqueue_indirect_dma source(%arg14 : memref<128xf32, #tpu.memory_space<vmem>>) target(%dma_start3A_163 : memref<10240xf32, #tpu.memory_space<vmem_shared>>) offsets(%dma_start3A_161 : memref<128xi32, #tpu.memory_space<vmem>>) semaphore(%run_scoped3A : memref<!tpu.dma_semaphore, #tpu.memory_space<semaphore_mem>>) {add = true}
        %dma_wait3A_164 = arith.constant 0 : i32
        %dma_wait3A_165 = tpu.memref_slice %arg8[%add3A_140, %dma_wait3A_164] : memref<80x128xi32, #tpu.memory_space<vmem>> -> memref<1x128xi32, #tpu.memory_space<vmem>>
        %dma_wait3A_166 = tpu.memref_squeeze %dma_wait3A_165 : memref<1x128xi32, #tpu.memory_space<vmem>> -> memref<128xi32, #tpu.memory_space<vmem>>
        %dma_wait3A_167 = arith.constant 0 : i32
        %dma_wait3A_168 = tpu.memref_slice %arg15[%dma_wait3A_167] : memref<10240xf32, #tpu.memory_space<vmem_shared>> -> memref<10240xf32, #tpu.memory_space<vmem_shared>>
        tpu.wait_indirect_dma semaphore(%run_scoped3A : memref<!tpu.dma_semaphore, #tpu.memory_space<semaphore_mem>>) src(%arg14 : memref<128xf32, #tpu.memory_space<vmem>>) dst(%dma_wait3A_168 : memref<10240xf32, #tpu.memory_space<vmem_shared>>)
        tpu.yield
      }) : () -> ()
    }
    %scan3A_61 = arith.constant 20 : i32
    %barrier3A_62 = arith.constant 0 : index
    tpu.barrier barrier_id(%barrier3A_62)
    %mul3A_63 = arith.constant 10240 : i32
    %mul3A_64 = arith.muli %arg0, %mul3A_63 : i32
    %mul3A_65 = arith.constant 640 : i32
    %mul3A_66 = arith.muli %arg1, %mul3A_65 : i32
    %add3A_67 = arith.addi %mul3A_64, %mul3A_66 : i32
    %mul3A_68 = arith.constant 640 : i32
    %mul3A_69 = arith.muli %arg1, %mul3A_68 : i32
    "tpu.region"() ({
      %run_scoped3A = tpu.sem_alloc : memref<!tpu.dma_semaphore, #tpu.memory_space<semaphore_mem>>
      %dma_start3A = arith.constant 0 : i32
      %dma_start3A_72 = tpu.memref_slice %arg5[%add3A_67, %dma_start3A] : memref<20480x64xf32, #tpu.memory_space<hbm>> -> memref<640x64xf32, #tpu.memory_space<hbm>>
      %dma_start3A_73 = arith.constant 0 : i32
      %dma_start3A_74 = tpu.memref_slice %arg11[%mul3A_69, %dma_start3A_73] : memref<10240x64xf32, #tpu.memory_space<vmem_shared>> -> memref<640x64xf32, #tpu.memory_space<vmem_shared>>
      tpu.enqueue_dma source(%dma_start3A_74 : memref<640x64xf32, #tpu.memory_space<vmem_shared>>) target(%dma_start3A_72 : memref<640x64xf32, #tpu.memory_space<hbm>>) target_semaphore(%run_scoped3A : memref<!tpu.dma_semaphore, #tpu.memory_space<semaphore_mem>>)
      %dma_wait3A = arith.constant 0 : i32
      %dma_wait3A_75 = tpu.memref_slice %arg5[%add3A_67, %dma_wait3A] : memref<20480x64xf32, #tpu.memory_space<hbm>> -> memref<640x64xf32, #tpu.memory_space<hbm>>
      %dma_wait3A_76 = arith.constant 0 : i32
      %dma_wait3A_77 = tpu.memref_slice %arg11[%mul3A_69, %dma_wait3A_76] : memref<10240x64xf32, #tpu.memory_space<vmem_shared>> -> memref<640x64xf32, #tpu.memory_space<vmem_shared>>
      tpu.wait_dma2 semaphore(%run_scoped3A : memref<!tpu.dma_semaphore, #tpu.memory_space<semaphore_mem>>) src(%dma_wait3A_77 : memref<640x64xf32, #tpu.memory_space<vmem_shared>>) dst(%dma_wait3A_75 : memref<640x64xf32, #tpu.memory_space<hbm>>)
      tpu.yield
    }) : () -> ()
    %mul3A_70 = arith.constant 640 : i32
    %mul3A_71 = arith.muli %arg1, %mul3A_70 : i32
    "tpu.region"() ({
      %run_scoped3A = tpu.sem_alloc : memref<!tpu.dma_semaphore, #tpu.memory_space<semaphore_mem>>
      %dma_start3A = tpu.memref_slice %arg6[%add3A_67] : memref<20480xf32, #tpu.memory_space<hbm>> -> memref<640xf32, #tpu.memory_space<hbm>>
      %dma_start3A_72 = tpu.memref_slice %arg15[%mul3A_71] : memref<10240xf32, #tpu.memory_space<vmem_shared>> -> memref<640xf32, #tpu.memory_space<vmem_shared>>
      tpu.enqueue_dma source(%dma_start3A_72 : memref<640xf32, #tpu.memory_space<vmem_shared>>) target(%dma_start3A : memref<640xf32, #tpu.memory_space<hbm>>) target_semaphore(%run_scoped3A : memref<!tpu.dma_semaphore, #tpu.memory_space<semaphore_mem>>)
      %dma_wait3A = tpu.memref_slice %arg6[%add3A_67] : memref<20480xf32, #tpu.memory_space<hbm>> -> memref<640xf32, #tpu.memory_space<hbm>>
      %dma_wait3A_73 = tpu.memref_slice %arg15[%mul3A_71] : memref<10240xf32, #tpu.memory_space<vmem_shared>> -> memref<640xf32, #tpu.memory_space<vmem_shared>>
      tpu.wait_dma2 semaphore(%run_scoped3A : memref<!tpu.dma_semaphore, #tpu.memory_space<semaphore_mem>>) src(%dma_wait3A_73 : memref<640xf32, #tpu.memory_space<vmem_shared>>) dst(%dma_wait3A : memref<640xf32, #tpu.memory_space<hbm>>)
      tpu.yield
    }) : () -> ()
    return
  }
}

#map = affine_map<(d0, d1) -> (0, 0)>
module attributes {stable_mosaic.version = 14 : i64} {
  func.func @body(%arg0: i32, %arg1: i32, %arg2: memref<10240x32xf32, #tpu.memory_space<hbm>>, %arg3: memref<2560x128xi32, #tpu.memory_space<hbm>>, %arg4: memref<2560x128xi32, #tpu.memory_space<hbm>>, %arg5: memref<20480x32xf32, #tpu.memory_space<hbm>>, %arg6: memref<80x128xi32, #tpu.memory_space<vmem>>, %arg7: memref<80x128xi32, #tpu.memory_space<vmem>>, %arg8: memref<512x32xf32, #tpu.memory_space<vmem>>, %arg9: memref<64x32xf32, #tpu.memory_space<vmem>>, %arg10: memref<10240x32xf32, #tpu.memory_space<vmem_shared>>, %arg11: memref<!tpu.dma_semaphore, #tpu.memory_space<semaphore_mem>>) attributes {dimension_semantics = [#tpu.dimension_semantics<core_parallel>, #tpu.dimension_semantics<subcore_parallel>], iteration_bounds = array<i64: 2, 16>, scalar_prefetch = 0 : i64, scratch_operands = 6 : i64, tpu.core_type = #tpu.core_type<sc_vector_subcore>, window_params = [{transform_indices = #map}, {transform_indices = #map}, {transform_indices = #map}, {transform_indices = #map}]} {
    %broadcast_in_dim3A = arith.constant 0.000000e+00 : f32
    %broadcast_in_dim3A_0 = vector.broadcast %broadcast_in_dim3A : f32 to vector<16xf32>
    %scan3A = arith.constant 0 : i32
    %scan3A_1 = arith.constant 0 : i32
    %scan3A_2 = arith.constant 64 : i32
    %scan3A_3 = arith.addi %scan3A_1, %scan3A_2 : i32
    %scan3A_4 = arith.constant 1 : i32
    scf.for %scan3A_29 = %scan3A_1 to %scan3A_3 step %scan3A_4  : i32 {
      %swap3A = arith.index_cast %scan3A_29 : i32 to index
      %swap3A_30 = arith.constant 0 : index
      %swap3A_31 = tpu.vector_load %arg9[%swap3A, %swap3A_30] {strides = array<i32>} : memref<64x32xf32, #tpu.memory_space<vmem>>, vector<1x16xf32>,
      %swap3A_32 = vector.shape_cast %swap3A_31 : vector<1x16xf32> to vector<16xf32>
      %swap3A_33 = vector.shape_cast %broadcast_in_dim3A_0 : vector<16xf32> to vector<1x16xf32>
      tpu.vector_store %arg9[%swap3A, %swap3A_30], %swap3A_33 {strides = array<i32>} : memref<64x32xf32, #tpu.memory_space<vmem>>, vector<1x16xf32>,
      %swap3A_34 = arith.index_cast %scan3A_29 : i32 to index
      %swap3A_35 = arith.constant 16 : index
      %swap3A_36 = tpu.vector_load %arg9[%swap3A_34, %swap3A_35] {strides = array<i32>} : memref<64x32xf32, #tpu.memory_space<vmem>>, vector<1x16xf32>,
      %swap3A_37 = vector.shape_cast %swap3A_36 : vector<1x16xf32> to vector<16xf32>
      %swap3A_38 = vector.shape_cast %broadcast_in_dim3A_0 : vector<16xf32> to vector<1x16xf32>
      tpu.vector_store %arg9[%swap3A_34, %swap3A_35], %swap3A_38 {strides = array<i32>} : memref<64x32xf32, #tpu.memory_space<vmem>>, vector<1x16xf32>,
    }
    %scan3A_5 = arith.constant 64 : i32
    %scan3A_6 = arith.constant 0 : i32
    %scan3A_7 = arith.constant 0 : i32
    %scan3A_8 = arith.constant 10 : i32
    %scan3A_9 = arith.addi %scan3A_7, %scan3A_8 : i32
    %scan3A_10 = arith.constant 1 : i32
    scf.for %scan3A_29 = %scan3A_7 to %scan3A_9 step %scan3A_10  : i32 {
      %mul3A_30 = arith.constant 640 : i32
      %mul3A_31 = arith.muli %arg1, %mul3A_30 : i32
      %mul3A_32 = arith.constant 64 : i32
      %mul3A_33 = arith.muli %scan3A_29, %mul3A_32 : i32
      %add3A_34 = arith.addi %mul3A_31, %mul3A_33 : i32
      "tpu.region"() ({
        %run_scoped3A = tpu.sem_alloc : memref<!tpu.dma_semaphore, #tpu.memory_space<semaphore_mem>>
        %dma_start3A = arith.constant 0 : i32
        %dma_start3A_35 = tpu.memref_slice %arg10[%add3A_34, %dma_start3A] : memref<10240x32xf32, #tpu.memory_space<vmem_shared>> -> memref<64x32xf32, #tpu.memory_space<vmem_shared>>
        %dma_start3A_36 = arith.constant 0 : i32
        %dma_start3A_37 = tpu.memref_slice %arg10[%add3A_34, %dma_start3A_36] : memref<10240x32xf32, #tpu.memory_space<vmem_shared>> -> memref<64x32xf32, #tpu.memory_space<vmem_shared>>
        tpu.enqueue_dma source(%arg9 : memref<64x32xf32, #tpu.memory_space<vmem>>) target(%dma_start3A_37 : memref<64x32xf32, #tpu.memory_space<vmem_shared>>) target_semaphore(%run_scoped3A : memref<!tpu.dma_semaphore, #tpu.memory_space<semaphore_mem>>)
        %dma_wait3A = arith.constant 0 : i32
        %dma_wait3A_38 = tpu.memref_slice %arg10[%add3A_34, %dma_wait3A] : memref<10240x32xf32, #tpu.memory_space<vmem_shared>> -> memref<64x32xf32, #tpu.memory_space<vmem_shared>>
        %dma_wait3A_39 = arith.constant 0 : i32
        %dma_wait3A_40 = tpu.memref_slice %arg10[%add3A_34, %dma_wait3A_39] : memref<10240x32xf32, #tpu.memory_space<vmem_shared>> -> memref<64x32xf32, #tpu.memory_space<vmem_shared>>
        tpu.wait_dma2 semaphore(%run_scoped3A : memref<!tpu.dma_semaphore, #tpu.memory_space<semaphore_mem>>) src(%arg9 : memref<64x32xf32, #tpu.memory_space<vmem>>) dst(%dma_wait3A_40 : memref<64x32xf32, #tpu.memory_space<vmem_shared>>)
        tpu.yield
      }) : () -> ()
    }
    %scan3A_11 = arith.constant 10 : i32
    %barrier3A = arith.constant 0 : index
    tpu.barrier barrier_id(%barrier3A)
    %mul3A = arith.constant 16 : i32
    %mul3A_12 = arith.muli %arg0, %mul3A : i32
    %add3A = arith.addi %mul3A_12, %arg1 : i32
    %mul3A_13 = arith.constant 80 : i32
    %mul3A_14 = arith.muli %add3A, %mul3A_13 : i32
    "tpu.region"() ({
      %run_scoped3A = tpu.sem_alloc : memref<!tpu.dma_semaphore, #tpu.memory_space<semaphore_mem>>
      %dma_start3A = arith.constant 0 : i32
      %dma_start3A_29 = tpu.memref_slice %arg3[%mul3A_14, %dma_start3A] : memref<2560x128xi32, #tpu.memory_space<hbm>> -> memref<80x128xi32, #tpu.memory_space<hbm>>
      %dma_start3A_30 = arith.constant 0 : i32
      %dma_start3A_31 = tpu.memref_slice %arg3[%mul3A_14, %dma_start3A_30] : memref<2560x128xi32, #tpu.memory_space<hbm>> -> memref<80x128xi32, #tpu.memory_space<hbm>>
      tpu.enqueue_dma source(%dma_start3A_31 : memref<80x128xi32, #tpu.memory_space<hbm>>) target(%arg6 : memref<80x128xi32, #tpu.memory_space<vmem>>) target_semaphore(%run_scoped3A : memref<!tpu.dma_semaphore, #tpu.memory_space<semaphore_mem>>)
      %dma_wait3A = arith.constant 0 : i32
      %dma_wait3A_32 = tpu.memref_slice %arg3[%mul3A_14, %dma_wait3A] : memref<2560x128xi32, #tpu.memory_space<hbm>> -> memref<80x128xi32, #tpu.memory_space<hbm>>
      %dma_wait3A_33 = arith.constant 0 : i32
      %dma_wait3A_34 = tpu.memref_slice %arg3[%mul3A_14, %dma_wait3A_33] : memref<2560x128xi32, #tpu.memory_space<hbm>> -> memref<80x128xi32, #tpu.memory_space<hbm>>
      tpu.wait_dma2 semaphore(%run_scoped3A : memref<!tpu.dma_semaphore, #tpu.memory_space<semaphore_mem>>) src(%dma_wait3A_34 : memref<80x128xi32, #tpu.memory_space<hbm>>) dst(%arg6 : memref<80x128xi32, #tpu.memory_space<vmem>>)
      tpu.yield
    }) : () -> ()
    "tpu.region"() ({
      %run_scoped3A = tpu.sem_alloc : memref<!tpu.dma_semaphore, #tpu.memory_space<semaphore_mem>>
      %dma_start3A = arith.constant 0 : i32
      %dma_start3A_29 = tpu.memref_slice %arg4[%mul3A_14, %dma_start3A] : memref<2560x128xi32, #tpu.memory_space<hbm>> -> memref<80x128xi32, #tpu.memory_space<hbm>>
      %dma_start3A_30 = arith.constant 0 : i32
      %dma_start3A_31 = tpu.memref_slice %arg4[%mul3A_14, %dma_start3A_30] : memref<2560x128xi32, #tpu.memory_space<hbm>> -> memref<80x128xi32, #tpu.memory_space<hbm>>
      tpu.enqueue_dma source(%dma_start3A_31 : memref<80x128xi32, #tpu.memory_space<hbm>>) target(%arg7 : memref<80x128xi32, #tpu.memory_space<vmem>>) target_semaphore(%run_scoped3A : memref<!tpu.dma_semaphore, #tpu.memory_space<semaphore_mem>>)
      %dma_wait3A = arith.constant 0 : i32
      %dma_wait3A_32 = tpu.memref_slice %arg4[%mul3A_14, %dma_wait3A] : memref<2560x128xi32, #tpu.memory_space<hbm>> -> memref<80x128xi32, #tpu.memory_space<hbm>>
      %dma_wait3A_33 = arith.constant 0 : i32
      %dma_wait3A_34 = tpu.memref_slice %arg4[%mul3A_14, %dma_wait3A_33] : memref<2560x128xi32, #tpu.memory_space<hbm>> -> memref<80x128xi32, #tpu.memory_space<hbm>>
      tpu.wait_dma2 semaphore(%run_scoped3A : memref<!tpu.dma_semaphore, #tpu.memory_space<semaphore_mem>>) src(%dma_wait3A_34 : memref<80x128xi32, #tpu.memory_space<hbm>>) dst(%arg7 : memref<80x128xi32, #tpu.memory_space<vmem>>)
      tpu.yield
    }) : () -> ()
    %scan3A_15 = arith.constant 0 : i32
    %scan3A_16 = arith.constant 0 : i32
    %scan3A_17 = arith.constant 20 : i32
    %scan3A_18 = arith.addi %scan3A_16, %scan3A_17 : i32
    %scan3A_19 = arith.constant 1 : i32
    scf.for %scan3A_29 = %scan3A_16 to %scan3A_18 step %scan3A_19  : i32 {
      %mul3A_30 = arith.constant 4 : i32
      %mul3A_31 = arith.muli %scan3A_29, %mul3A_30 : i32
      %add3A_32 = arith.constant 0 : i32
      %add3A_33 = arith.addi %mul3A_31, %add3A_32 : i32
      %dma_start3A = arith.constant 0 : i32
      %dma_start3A_34 = arith.constant 0 : i32
      %dma_start3A_35 = tpu.memref_slice %arg8[%dma_start3A, %dma_start3A_34] : memref<512x32xf32, #tpu.memory_space<vmem>> -> memref<128x32xf32, #tpu.memory_space<vmem>>
      %dma_start3A_36 = arith.constant 0 : i32
      %dma_start3A_37 = tpu.memref_slice %arg6[%add3A_33, %dma_start3A_36] : memref<80x128xi32, #tpu.memory_space<vmem>> -> memref<1x128xi32, #tpu.memory_space<vmem>>
      %dma_start3A_38 = tpu.memref_squeeze %dma_start3A_37 : memref<1x128xi32, #tpu.memory_space<vmem>> -> memref<128xi32, #tpu.memory_space<vmem>>
      %dma_start3A_39 = arith.constant 0 : i32
      %dma_start3A_40 = arith.constant 0 : i32
      %dma_start3A_41 = tpu.memref_slice %arg2[%dma_start3A_39, %dma_start3A_40] : memref<10240x32xf32, #tpu.memory_space<hbm>> -> memref<10240x32xf32, #tpu.memory_space<hbm>>
      tpu.enqueue_indirect_dma source(%dma_start3A_41 : memref<10240x32xf32, #tpu.memory_space<hbm>>) target(%dma_start3A_35 : memref<128x32xf32, #tpu.memory_space<vmem>>) offsets(%dma_start3A_38 : memref<128xi32, #tpu.memory_space<vmem>>) semaphore(%arg11 : memref<!tpu.dma_semaphore, #tpu.memory_space<semaphore_mem>>)
      %dma_wait3A = arith.constant 0 : i32
      %dma_wait3A_42 = arith.constant 0 : i32
      %dma_wait3A_43 = tpu.memref_slice %arg8[%dma_wait3A, %dma_wait3A_42] : memref<512x32xf32, #tpu.memory_space<vmem>> -> memref<128x32xf32, #tpu.memory_space<vmem>>
      %dma_wait3A_44 = arith.constant 0 : i32
      %dma_wait3A_45 = tpu.memref_slice %arg6[%add3A_33, %dma_wait3A_44] : memref<80x128xi32, #tpu.memory_space<vmem>> -> memref<1x128xi32, #tpu.memory_space<vmem>>
      %dma_wait3A_46 = tpu.memref_squeeze %dma_wait3A_45 : memref<1x128xi32, #tpu.memory_space<vmem>> -> memref<128xi32, #tpu.memory_space<vmem>>
      %dma_wait3A_47 = arith.constant 0 : i32
      %dma_wait3A_48 = arith.constant 0 : i32
      %dma_wait3A_49 = tpu.memref_slice %arg2[%dma_wait3A_47, %dma_wait3A_48] : memref<10240x32xf32, #tpu.memory_space<hbm>> -> memref<10240x32xf32, #tpu.memory_space<hbm>>
      tpu.wait_indirect_dma semaphore(%arg11 : memref<!tpu.dma_semaphore, #tpu.memory_space<semaphore_mem>>) src(%dma_wait3A_49 : memref<10240x32xf32, #tpu.memory_space<hbm>>) dst(%dma_wait3A_43 : memref<128x32xf32, #tpu.memory_space<vmem>>)
      "tpu.region"() ({
        %run_scoped3A = tpu.sem_alloc : memref<!tpu.dma_semaphore, #tpu.memory_space<semaphore_mem>>
        %dma_start3A_116 = arith.constant 0 : i32
        %dma_start3A_117 = arith.constant 0 : i32
        %dma_start3A_118 = tpu.memref_slice %arg8[%dma_start3A_116, %dma_start3A_117] : memref<512x32xf32, #tpu.memory_space<vmem>> -> memref<128x32xf32, #tpu.memory_space<vmem>>
        %dma_start3A_119 = arith.constant 0 : i32
        %dma_start3A_120 = tpu.memref_slice %arg7[%add3A_33, %dma_start3A_119] : memref<80x128xi32, #tpu.memory_space<vmem>> -> memref<1x128xi32, #tpu.memory_space<vmem>>
        %dma_start3A_121 = tpu.memref_squeeze %dma_start3A_120 : memref<1x128xi32, #tpu.memory_space<vmem>> -> memref<128xi32, #tpu.memory_space<vmem>>
        %dma_start3A_122 = arith.constant 0 : i32
        %dma_start3A_123 = arith.constant 0 : i32
        %dma_start3A_124 = tpu.memref_slice %arg10[%dma_start3A_122, %dma_start3A_123] : memref<10240x32xf32, #tpu.memory_space<vmem_shared>> -> memref<10240x32xf32, #tpu.memory_space<vmem_shared>>
        tpu.enqueue_indirect_dma source(%dma_start3A_118 : memref<128x32xf32, #tpu.memory_space<vmem>>) target(%dma_start3A_124 : memref<10240x32xf32, #tpu.memory_space<vmem_shared>>) offsets(%dma_start3A_121 : memref<128xi32, #tpu.memory_space<vmem>>) semaphore(%run_scoped3A : memref<!tpu.dma_semaphore, #tpu.memory_space<semaphore_mem>>) {add = true}
        %dma_wait3A_125 = arith.constant 0 : i32
        %dma_wait3A_126 = arith.constant 0 : i32
        %dma_wait3A_127 = tpu.memref_slice %arg8[%dma_wait3A_125, %dma_wait3A_126] : memref<512x32xf32, #tpu.memory_space<vmem>> -> memref<128x32xf32, #tpu.memory_space<vmem>>
        %dma_wait3A_128 = arith.constant 0 : i32
        %dma_wait3A_129 = tpu.memref_slice %arg7[%add3A_33, %dma_wait3A_128] : memref<80x128xi32, #tpu.memory_space<vmem>> -> memref<1x128xi32, #tpu.memory_space<vmem>>
        %dma_wait3A_130 = tpu.memref_squeeze %dma_wait3A_129 : memref<1x128xi32, #tpu.memory_space<vmem>> -> memref<128xi32, #tpu.memory_space<vmem>>
        %dma_wait3A_131 = arith.constant 0 : i32
        %dma_wait3A_132 = arith.constant 0 : i32
        %dma_wait3A_133 = tpu.memref_slice %arg10[%dma_wait3A_131, %dma_wait3A_132] : memref<10240x32xf32, #tpu.memory_space<vmem_shared>> -> memref<10240x32xf32, #tpu.memory_space<vmem_shared>>
        tpu.wait_indirect_dma semaphore(%run_scoped3A : memref<!tpu.dma_semaphore, #tpu.memory_space<semaphore_mem>>) src(%dma_wait3A_127 : memref<128x32xf32, #tpu.memory_space<vmem>>) dst(%dma_wait3A_133 : memref<10240x32xf32, #tpu.memory_space<vmem_shared>>)
        tpu.yield
      }) : () -> ()
      %mul3A_50 = arith.constant 4 : i32
      %mul3A_51 = arith.muli %scan3A_29, %mul3A_50 : i32
      %add3A_52 = arith.constant 1 : i32
      %add3A_53 = arith.addi %mul3A_51, %add3A_52 : i32
      %dma_start3A_54 = arith.constant 128 : i32
      %dma_start3A_55 = arith.constant 0 : i32
      %dma_start3A_56 = tpu.memref_slice %arg8[%dma_start3A_54, %dma_start3A_55] : memref<512x32xf32, #tpu.memory_space<vmem>> -> memref<128x32xf32, #tpu.memory_space<vmem>>
      %dma_start3A_57 = arith.constant 0 : i32
      %dma_start3A_58 = tpu.memref_slice %arg6[%add3A_53, %dma_start3A_57] : memref<80x128xi32, #tpu.memory_space<vmem>> -> memref<1x128xi32, #tpu.memory_space<vmem>>
      %dma_start3A_59 = tpu.memref_squeeze %dma_start3A_58 : memref<1x128xi32, #tpu.memory_space<vmem>> -> memref<128xi32, #tpu.memory_space<vmem>>
      %dma_start3A_60 = arith.constant 0 : i32
      %dma_start3A_61 = arith.constant 0 : i32
      %dma_start3A_62 = tpu.memref_slice %arg2[%dma_start3A_60, %dma_start3A_61] : memref<10240x32xf32, #tpu.memory_space<hbm>> -> memref<10240x32xf32, #tpu.memory_space<hbm>>
      tpu.enqueue_indirect_dma source(%dma_start3A_62 : memref<10240x32xf32, #tpu.memory_space<hbm>>) target(%dma_start3A_56 : memref<128x32xf32, #tpu.memory_space<vmem>>) offsets(%dma_start3A_59 : memref<128xi32, #tpu.memory_space<vmem>>) semaphore(%arg11 : memref<!tpu.dma_semaphore, #tpu.memory_space<semaphore_mem>>)
      %dma_wait3A_63 = arith.constant 128 : i32
      %dma_wait3A_64 = arith.constant 0 : i32
      %dma_wait3A_65 = tpu.memref_slice %arg8[%dma_wait3A_63, %dma_wait3A_64] : memref<512x32xf32, #tpu.memory_space<vmem>> -> memref<128x32xf32, #tpu.memory_space<vmem>>
      %dma_wait3A_66 = arith.constant 0 : i32
      %dma_wait3A_67 = tpu.memref_slice %arg6[%add3A_53, %dma_wait3A_66] : memref<80x128xi32, #tpu.memory_space<vmem>> -> memref<1x128xi32, #tpu.memory_space<vmem>>
      %dma_wait3A_68 = tpu.memref_squeeze %dma_wait3A_67 : memref<1x128xi32, #tpu.memory_space<vmem>> -> memref<128xi32, #tpu.memory_space<vmem>>
      %dma_wait3A_69 = arith.constant 0 : i32
      %dma_wait3A_70 = arith.constant 0 : i32
      %dma_wait3A_71 = tpu.memref_slice %arg2[%dma_wait3A_69, %dma_wait3A_70] : memref<10240x32xf32, #tpu.memory_space<hbm>> -> memref<10240x32xf32, #tpu.memory_space<hbm>>
      tpu.wait_indirect_dma semaphore(%arg11 : memref<!tpu.dma_semaphore, #tpu.memory_space<semaphore_mem>>) src(%dma_wait3A_71 : memref<10240x32xf32, #tpu.memory_space<hbm>>) dst(%dma_wait3A_65 : memref<128x32xf32, #tpu.memory_space<vmem>>)
      "tpu.region"() ({
        %run_scoped3A = tpu.sem_alloc : memref<!tpu.dma_semaphore, #tpu.memory_space<semaphore_mem>>
        %dma_start3A_116 = arith.constant 128 : i32
        %dma_start3A_117 = arith.constant 0 : i32
        %dma_start3A_118 = tpu.memref_slice %arg8[%dma_start3A_116, %dma_start3A_117] : memref<512x32xf32, #tpu.memory_space<vmem>> -> memref<128x32xf32, #tpu.memory_space<vmem>>
        %dma_start3A_119 = arith.constant 0 : i32
        %dma_start3A_120 = tpu.memref_slice %arg7[%add3A_53, %dma_start3A_119] : memref<80x128xi32, #tpu.memory_space<vmem>> -> memref<1x128xi32, #tpu.memory_space<vmem>>
        %dma_start3A_121 = tpu.memref_squeeze %dma_start3A_120 : memref<1x128xi32, #tpu.memory_space<vmem>> -> memref<128xi32, #tpu.memory_space<vmem>>
        %dma_start3A_122 = arith.constant 0 : i32
        %dma_start3A_123 = arith.constant 0 : i32
        %dma_start3A_124 = tpu.memref_slice %arg10[%dma_start3A_122, %dma_start3A_123] : memref<10240x32xf32, #tpu.memory_space<vmem_shared>> -> memref<10240x32xf32, #tpu.memory_space<vmem_shared>>
        tpu.enqueue_indirect_dma source(%dma_start3A_118 : memref<128x32xf32, #tpu.memory_space<vmem>>) target(%dma_start3A_124 : memref<10240x32xf32, #tpu.memory_space<vmem_shared>>) offsets(%dma_start3A_121 : memref<128xi32, #tpu.memory_space<vmem>>) semaphore(%run_scoped3A : memref<!tpu.dma_semaphore, #tpu.memory_space<semaphore_mem>>) {add = true}
        %dma_wait3A_125 = arith.constant 128 : i32
        %dma_wait3A_126 = arith.constant 0 : i32
        %dma_wait3A_127 = tpu.memref_slice %arg8[%dma_wait3A_125, %dma_wait3A_126] : memref<512x32xf32, #tpu.memory_space<vmem>> -> memref<128x32xf32, #tpu.memory_space<vmem>>
        %dma_wait3A_128 = arith.constant 0 : i32
        %dma_wait3A_129 = tpu.memref_slice %arg7[%add3A_53, %dma_wait3A_128] : memref<80x128xi32, #tpu.memory_space<vmem>> -> memref<1x128xi32, #tpu.memory_space<vmem>>
        %dma_wait3A_130 = tpu.memref_squeeze %dma_wait3A_129 : memref<1x128xi32, #tpu.memory_space<vmem>> -> memref<128xi32, #tpu.memory_space<vmem>>
        %dma_wait3A_131 = arith.constant 0 : i32
        %dma_wait3A_132 = arith.constant 0 : i32
        %dma_wait3A_133 = tpu.memref_slice %arg10[%dma_wait3A_131, %dma_wait3A_132] : memref<10240x32xf32, #tpu.memory_space<vmem_shared>> -> memref<10240x32xf32, #tpu.memory_space<vmem_shared>>
        tpu.wait_indirect_dma semaphore(%run_scoped3A : memref<!tpu.dma_semaphore, #tpu.memory_space<semaphore_mem>>) src(%dma_wait3A_127 : memref<128x32xf32, #tpu.memory_space<vmem>>) dst(%dma_wait3A_133 : memref<10240x32xf32, #tpu.memory_space<vmem_shared>>)
        tpu.yield
      }) : () -> ()
      %mul3A_72 = arith.constant 4 : i32
      %mul3A_73 = arith.muli %scan3A_29, %mul3A_72 : i32
      %add3A_74 = arith.constant 2 : i32
      %add3A_75 = arith.addi %mul3A_73, %add3A_74 : i32
      %dma_start3A_76 = arith.constant 256 : i32
      %dma_start3A_77 = arith.constant 0 : i32
      %dma_start3A_78 = tpu.memref_slice %arg8[%dma_start3A_76, %dma_start3A_77] : memref<512x32xf32, #tpu.memory_space<vmem>> -> memref<128x32xf32, #tpu.memory_space<vmem>>
      %dma_start3A_79 = arith.constant 0 : i32
      %dma_start3A_80 = tpu.memref_slice %arg6[%add3A_75, %dma_start3A_79] : memref<80x128xi32, #tpu.memory_space<vmem>> -> memref<1x128xi32, #tpu.memory_space<vmem>>
      %dma_start3A_81 = tpu.memref_squeeze %dma_start3A_80 : memref<1x128xi32, #tpu.memory_space<vmem>> -> memref<128xi32, #tpu.memory_space<vmem>>
      %dma_start3A_82 = arith.constant 0 : i32
      %dma_start3A_83 = arith.constant 0 : i32
      %dma_start3A_84 = tpu.memref_slice %arg2[%dma_start3A_82, %dma_start3A_83] : memref<10240x32xf32, #tpu.memory_space<hbm>> -> memref<10240x32xf32, #tpu.memory_space<hbm>>
      tpu.enqueue_indirect_dma source(%dma_start3A_84 : memref<10240x32xf32, #tpu.memory_space<hbm>>) target(%dma_start3A_78 : memref<128x32xf32, #tpu.memory_space<vmem>>) offsets(%dma_start3A_81 : memref<128xi32, #tpu.memory_space<vmem>>) semaphore(%arg11 : memref<!tpu.dma_semaphore, #tpu.memory_space<semaphore_mem>>)
      %dma_wait3A_85 = arith.constant 256 : i32
      %dma_wait3A_86 = arith.constant 0 : i32
      %dma_wait3A_87 = tpu.memref_slice %arg8[%dma_wait3A_85, %dma_wait3A_86] : memref<512x32xf32, #tpu.memory_space<vmem>> -> memref<128x32xf32, #tpu.memory_space<vmem>>
      %dma_wait3A_88 = arith.constant 0 : i32
      %dma_wait3A_89 = tpu.memref_slice %arg6[%add3A_75, %dma_wait3A_88] : memref<80x128xi32, #tpu.memory_space<vmem>> -> memref<1x128xi32, #tpu.memory_space<vmem>>
      %dma_wait3A_90 = tpu.memref_squeeze %dma_wait3A_89 : memref<1x128xi32, #tpu.memory_space<vmem>> -> memref<128xi32, #tpu.memory_space<vmem>>
      %dma_wait3A_91 = arith.constant 0 : i32
      %dma_wait3A_92 = arith.constant 0 : i32
      %dma_wait3A_93 = tpu.memref_slice %arg2[%dma_wait3A_91, %dma_wait3A_92] : memref<10240x32xf32, #tpu.memory_space<hbm>> -> memref<10240x32xf32, #tpu.memory_space<hbm>>
      tpu.wait_indirect_dma semaphore(%arg11 : memref<!tpu.dma_semaphore, #tpu.memory_space<semaphore_mem>>) src(%dma_wait3A_93 : memref<10240x32xf32, #tpu.memory_space<hbm>>) dst(%dma_wait3A_87 : memref<128x32xf32, #tpu.memory_space<vmem>>)
      "tpu.region"() ({
        %run_scoped3A = tpu.sem_alloc : memref<!tpu.dma_semaphore, #tpu.memory_space<semaphore_mem>>
        %dma_start3A_116 = arith.constant 256 : i32
        %dma_start3A_117 = arith.constant 0 : i32
        %dma_start3A_118 = tpu.memref_slice %arg8[%dma_start3A_116, %dma_start3A_117] : memref<512x32xf32, #tpu.memory_space<vmem>> -> memref<128x32xf32, #tpu.memory_space<vmem>>
        %dma_start3A_119 = arith.constant 0 : i32
        %dma_start3A_120 = tpu.memref_slice %arg7[%add3A_75, %dma_start3A_119] : memref<80x128xi32, #tpu.memory_space<vmem>> -> memref<1x128xi32, #tpu.memory_space<vmem>>
        %dma_start3A_121 = tpu.memref_squeeze %dma_start3A_120 : memref<1x128xi32, #tpu.memory_space<vmem>> -> memref<128xi32, #tpu.memory_space<vmem>>
        %dma_start3A_122 = arith.constant 0 : i32
        %dma_start3A_123 = arith.constant 0 : i32
        %dma_start3A_124 = tpu.memref_slice %arg10[%dma_start3A_122, %dma_start3A_123] : memref<10240x32xf32, #tpu.memory_space<vmem_shared>> -> memref<10240x32xf32, #tpu.memory_space<vmem_shared>>
        tpu.enqueue_indirect_dma source(%dma_start3A_118 : memref<128x32xf32, #tpu.memory_space<vmem>>) target(%dma_start3A_124 : memref<10240x32xf32, #tpu.memory_space<vmem_shared>>) offsets(%dma_start3A_121 : memref<128xi32, #tpu.memory_space<vmem>>) semaphore(%run_scoped3A : memref<!tpu.dma_semaphore, #tpu.memory_space<semaphore_mem>>) {add = true}
        %dma_wait3A_125 = arith.constant 256 : i32
        %dma_wait3A_126 = arith.constant 0 : i32
        %dma_wait3A_127 = tpu.memref_slice %arg8[%dma_wait3A_125, %dma_wait3A_126] : memref<512x32xf32, #tpu.memory_space<vmem>> -> memref<128x32xf32, #tpu.memory_space<vmem>>
        %dma_wait3A_128 = arith.constant 0 : i32
        %dma_wait3A_129 = tpu.memref_slice %arg7[%add3A_75, %dma_wait3A_128] : memref<80x128xi32, #tpu.memory_space<vmem>> -> memref<1x128xi32, #tpu.memory_space<vmem>>
        %dma_wait3A_130 = tpu.memref_squeeze %dma_wait3A_129 : memref<1x128xi32, #tpu.memory_space<vmem>> -> memref<128xi32, #tpu.memory_space<vmem>>
        %dma_wait3A_131 = arith.constant 0 : i32
        %dma_wait3A_132 = arith.constant 0 : i32
        %dma_wait3A_133 = tpu.memref_slice %arg10[%dma_wait3A_131, %dma_wait3A_132] : memref<10240x32xf32, #tpu.memory_space<vmem_shared>> -> memref<10240x32xf32, #tpu.memory_space<vmem_shared>>
        tpu.wait_indirect_dma semaphore(%run_scoped3A : memref<!tpu.dma_semaphore, #tpu.memory_space<semaphore_mem>>) src(%dma_wait3A_127 : memref<128x32xf32, #tpu.memory_space<vmem>>) dst(%dma_wait3A_133 : memref<10240x32xf32, #tpu.memory_space<vmem_shared>>)
        tpu.yield
      }) : () -> ()
      %mul3A_94 = arith.constant 4 : i32
      %mul3A_95 = arith.muli %scan3A_29, %mul3A_94 : i32
      %add3A_96 = arith.constant 3 : i32
      %add3A_97 = arith.addi %mul3A_95, %add3A_96 : i32
      %dma_start3A_98 = arith.constant 384 : i32
      %dma_start3A_99 = arith.constant 0 : i32
      %dma_start3A_100 = tpu.memref_slice %arg8[%dma_start3A_98, %dma_start3A_99] : memref<512x32xf32, #tpu.memory_space<vmem>> -> memref<128x32xf32, #tpu.memory_space<vmem>>
      %dma_start3A_101 = arith.constant 0 : i32
      %dma_start3A_102 = tpu.memref_slice %arg6[%add3A_97, %dma_start3A_101] : memref<80x128xi32, #tpu.memory_space<vmem>> -> memref<1x128xi32, #tpu.memory_space<vmem>>
      %dma_start3A_103 = tpu.memref_squeeze %dma_start3A_102 : memref<1x128xi32, #tpu.memory_space<vmem>> -> memref<128xi32, #tpu.memory_space<vmem>>
      %dma_start3A_104 = arith.constant 0 : i32
      %dma_start3A_105 = arith.constant 0 : i32
      %dma_start3A_106 = tpu.memref_slice %arg2[%dma_start3A_104, %dma_start3A_105] : memref<10240x32xf32, #tpu.memory_space<hbm>> -> memref<10240x32xf32, #tpu.memory_space<hbm>>
      tpu.enqueue_indirect_dma source(%dma_start3A_106 : memref<10240x32xf32, #tpu.memory_space<hbm>>) target(%dma_start3A_100 : memref<128x32xf32, #tpu.memory_space<vmem>>) offsets(%dma_start3A_103 : memref<128xi32, #tpu.memory_space<vmem>>) semaphore(%arg11 : memref<!tpu.dma_semaphore, #tpu.memory_space<semaphore_mem>>)
      %dma_wait3A_107 = arith.constant 384 : i32
      %dma_wait3A_108 = arith.constant 0 : i32
      %dma_wait3A_109 = tpu.memref_slice %arg8[%dma_wait3A_107, %dma_wait3A_108] : memref<512x32xf32, #tpu.memory_space<vmem>> -> memref<128x32xf32, #tpu.memory_space<vmem>>
      %dma_wait3A_110 = arith.constant 0 : i32
      %dma_wait3A_111 = tpu.memref_slice %arg6[%add3A_97, %dma_wait3A_110] : memref<80x128xi32, #tpu.memory_space<vmem>> -> memref<1x128xi32, #tpu.memory_space<vmem>>
      %dma_wait3A_112 = tpu.memref_squeeze %dma_wait3A_111 : memref<1x128xi32, #tpu.memory_space<vmem>> -> memref<128xi32, #tpu.memory_space<vmem>>
      %dma_wait3A_113 = arith.constant 0 : i32
      %dma_wait3A_114 = arith.constant 0 : i32
      %dma_wait3A_115 = tpu.memref_slice %arg2[%dma_wait3A_113, %dma_wait3A_114] : memref<10240x32xf32, #tpu.memory_space<hbm>> -> memref<10240x32xf32, #tpu.memory_space<hbm>>
      tpu.wait_indirect_dma semaphore(%arg11 : memref<!tpu.dma_semaphore, #tpu.memory_space<semaphore_mem>>) src(%dma_wait3A_115 : memref<10240x32xf32, #tpu.memory_space<hbm>>) dst(%dma_wait3A_109 : memref<128x32xf32, #tpu.memory_space<vmem>>)
      "tpu.region"() ({
        %run_scoped3A = tpu.sem_alloc : memref<!tpu.dma_semaphore, #tpu.memory_space<semaphore_mem>>
        %dma_start3A_116 = arith.constant 384 : i32
        %dma_start3A_117 = arith.constant 0 : i32
        %dma_start3A_118 = tpu.memref_slice %arg8[%dma_start3A_116, %dma_start3A_117] : memref<512x32xf32, #tpu.memory_space<vmem>> -> memref<128x32xf32, #tpu.memory_space<vmem>>
        %dma_start3A_119 = arith.constant 0 : i32
        %dma_start3A_120 = tpu.memref_slice %arg7[%add3A_97, %dma_start3A_119] : memref<80x128xi32, #tpu.memory_space<vmem>> -> memref<1x128xi32, #tpu.memory_space<vmem>>
        %dma_start3A_121 = tpu.memref_squeeze %dma_start3A_120 : memref<1x128xi32, #tpu.memory_space<vmem>> -> memref<128xi32, #tpu.memory_space<vmem>>
        %dma_start3A_122 = arith.constant 0 : i32
        %dma_start3A_123 = arith.constant 0 : i32
        %dma_start3A_124 = tpu.memref_slice %arg10[%dma_start3A_122, %dma_start3A_123] : memref<10240x32xf32, #tpu.memory_space<vmem_shared>> -> memref<10240x32xf32, #tpu.memory_space<vmem_shared>>
        tpu.enqueue_indirect_dma source(%dma_start3A_118 : memref<128x32xf32, #tpu.memory_space<vmem>>) target(%dma_start3A_124 : memref<10240x32xf32, #tpu.memory_space<vmem_shared>>) offsets(%dma_start3A_121 : memref<128xi32, #tpu.memory_space<vmem>>) semaphore(%run_scoped3A : memref<!tpu.dma_semaphore, #tpu.memory_space<semaphore_mem>>) {add = true}
        %dma_wait3A_125 = arith.constant 384 : i32
        %dma_wait3A_126 = arith.constant 0 : i32
        %dma_wait3A_127 = tpu.memref_slice %arg8[%dma_wait3A_125, %dma_wait3A_126] : memref<512x32xf32, #tpu.memory_space<vmem>> -> memref<128x32xf32, #tpu.memory_space<vmem>>
        %dma_wait3A_128 = arith.constant 0 : i32
        %dma_wait3A_129 = tpu.memref_slice %arg7[%add3A_97, %dma_wait3A_128] : memref<80x128xi32, #tpu.memory_space<vmem>> -> memref<1x128xi32, #tpu.memory_space<vmem>>
        %dma_wait3A_130 = tpu.memref_squeeze %dma_wait3A_129 : memref<1x128xi32, #tpu.memory_space<vmem>> -> memref<128xi32, #tpu.memory_space<vmem>>
        %dma_wait3A_131 = arith.constant 0 : i32
        %dma_wait3A_132 = arith.constant 0 : i32
        %dma_wait3A_133 = tpu.memref_slice %arg10[%dma_wait3A_131, %dma_wait3A_132] : memref<10240x32xf32, #tpu.memory_space<vmem_shared>> -> memref<10240x32xf32, #tpu.memory_space<vmem_shared>>
        tpu.wait_indirect_dma semaphore(%run_scoped3A : memref<!tpu.dma_semaphore, #tpu.memory_space<semaphore_mem>>) src(%dma_wait3A_127 : memref<128x32xf32, #tpu.memory_space<vmem>>) dst(%dma_wait3A_133 : memref<10240x32xf32, #tpu.memory_space<vmem_shared>>)
        tpu.yield
      }) : () -> ()
    }
    %scan3A_20 = arith.constant 20 : i32
    %barrier3A_21 = arith.constant 0 : index
    tpu.barrier barrier_id(%barrier3A_21)
    %mul3A_22 = arith.constant 10240 : i32
    %mul3A_23 = arith.muli %arg0, %mul3A_22 : i32
    %mul3A_24 = arith.constant 640 : i32
    %mul3A_25 = arith.muli %arg1, %mul3A_24 : i32
    %add3A_26 = arith.addi %mul3A_23, %mul3A_25 : i32
    %mul3A_27 = arith.constant 640 : i32
    %mul3A_28 = arith.muli %arg1, %mul3A_27 : i32
    "tpu.region"() ({
      %run_scoped3A = tpu.sem_alloc : memref<!tpu.dma_semaphore, #tpu.memory_space<semaphore_mem>>
      %dma_start3A = arith.constant 0 : i32
      %dma_start3A_29 = tpu.memref_slice %arg5[%add3A_26, %dma_start3A] : memref<20480x32xf32, #tpu.memory_space<hbm>> -> memref<640x32xf32, #tpu.memory_space<hbm>>
      %dma_start3A_30 = arith.constant 0 : i32
      %dma_start3A_31 = tpu.memref_slice %arg10[%mul3A_28, %dma_start3A_30] : memref<10240x32xf32, #tpu.memory_space<vmem_shared>> -> memref<640x32xf32, #tpu.memory_space<vmem_shared>>
      tpu.enqueue_dma source(%dma_start3A_31 : memref<640x32xf32, #tpu.memory_space<vmem_shared>>) target(%dma_start3A_29 : memref<640x32xf32, #tpu.memory_space<hbm>>) target_semaphore(%run_scoped3A : memref<!tpu.dma_semaphore, #tpu.memory_space<semaphore_mem>>)
      %dma_wait3A = arith.constant 0 : i32
      %dma_wait3A_32 = tpu.memref_slice %arg5[%add3A_26, %dma_wait3A] : memref<20480x32xf32, #tpu.memory_space<hbm>> -> memref<640x32xf32, #tpu.memory_space<hbm>>
      %dma_wait3A_33 = arith.constant 0 : i32
      %dma_wait3A_34 = tpu.memref_slice %arg10[%mul3A_28, %dma_wait3A_33] : memref<10240x32xf32, #tpu.memory_space<vmem_shared>> -> memref<640x32xf32, #tpu.memory_space<vmem_shared>>
      tpu.wait_dma2 semaphore(%run_scoped3A : memref<!tpu.dma_semaphore, #tpu.memory_space<semaphore_mem>>) src(%dma_wait3A_34 : memref<640x32xf32, #tpu.memory_space<vmem_shared>>) dst(%dma_wait3A_32 : memref<640x32xf32, #tpu.memory_space<hbm>>)
      tpu.yield
    }) : () -> ()
    return
  }
}

module attributes {stable_mosaic.version = 14 : i64} {
  func.func @_mm_kernel(%arg0: i32, %arg1: memref<1024x128xf32, #tpu.memory_space<vmem>>, %arg2: memref<64x128xf32, #tpu.memory_space<vmem>>, %arg3: memref<1024x64xf32, #tpu.memory_space<vmem>>) attributes {dimension_semantics = [#tpu.dimension_semantics<arbitrary>], iteration_bounds = array<i64: 10>, scalar_prefetch = 0 : i64, scratch_operands = 0 : i64, tpu.core_type = #tpu.core_type<tc>, window_params = [{transform_indices = @transform_0, window_bounds = array<i64: 1024, 128>}, {pipeline_mode = #tpu.pipeline_mode<synchronous>, transform_indices = @transform_1, window_bounds = array<i64: 64, 128>}, {transform_indices = @transform_2, window_bounds = array<i64: 1024, 64>}]} {
    %get3A = arith.constant 0 : index
    %get3A_0 = arith.constant 0 : index
    %get3A_1 = vector.load %arg1[%get3A, %get3A_0] : memref<1024x128xf32, #tpu.memory_space<vmem>>, vector<1024x128xf32>
    %get3A_2 = arith.constant 0 : index
    %get3A_3 = arith.constant 0 : index
    %get3A_4 = vector.load %arg2[%get3A_2, %get3A_3] : memref<64x128xf32, #tpu.memory_space<vmem>>, vector<64x128xf32>
    %dot_general3A = arith.constant dense<0.000000e+00> : vector<1024x64xf32>
    %dot_general3A_5 = tpu.matmul %get3A_1, %get3A_4, %dot_general3A {dimension_numbers = #tpu.dot_dimension_numbers<[1], [1], [0], [0], [0, 0, 1, 0], [], []>, transpose_lhs_hint = false} : vector<1024x128xf32>, vector<64x128xf32>, vector<1024x64xf32> -> vector<1024x64xf32>
    %swap3A = arith.constant 0 : index
    %swap3A_6 = arith.constant 0 : index
    %swap3A_7 = vector.load %arg3[%swap3A, %swap3A_6] : memref<1024x64xf32, #tpu.memory_space<vmem>>, vector<1024x64xf32>
    tpu.vector_store %arg3[%swap3A, %swap3A_6], %dot_general3A_5 {strides = array<i32>} : memref<1024x64xf32, #tpu.memory_space<vmem>>, vector<1024x64xf32>,
    return
  }
  func.func @transform_0(%arg0: i32) -> (i32, i32) {
    %c0_i32 = arith.constant 0 : i32
    %c0_i32_0 = arith.constant 0 : i32
    return %arg0, %c0_i32 : i32, i32
  }
  func.func @transform_1(%arg0: i32) -> (i32, i32) {
    %c0_i32 = arith.constant 0 : i32
    %c0_i32_0 = arith.constant 0 : i32
    %c0_i32_1 = arith.constant 0 : i32
    return %c0_i32, %c0_i32_0 : i32, i32
  }
  func.func @transform_2(%arg0: i32) -> (i32, i32) {
    %c0_i32 = arith.constant 0 : i32
    %c0_i32_0 = arith.constant 0 : i32
    return %arg0, %c0_i32 : i32, i32
  }
}

module attributes {stable_mosaic.version = 14 : i64} {
  func.func @_epilogue_kernel(%arg0: i32, %arg1: memref<1024x64xf32, #tpu.memory_space<vmem>>, %arg2: memref<1024x64xf32, #tpu.memory_space<vmem>>, %arg3: memref<1024x1xf32, #tpu.memory_space<vmem>>, %arg4: memref<1024x1xf32, #tpu.memory_space<vmem>>, %arg5: memref<1024x128xf32, #tpu.memory_space<vmem>>, %arg6: memref<64x128xf32, #tpu.memory_space<vmem>>, %arg7: memref<1x64xf32, #tpu.memory_space<vmem>>, %arg8: memref<1024x64xf32, #tpu.memory_space<vmem>>) attributes {dimension_semantics = [#tpu.dimension_semantics<arbitrary>], iteration_bounds = array<i64: 10>, scalar_prefetch = 0 : i64, scratch_operands = 0 : i64, tpu.core_type = #tpu.core_type<tc>, window_params = [{transform_indices = @transform_0, window_bounds = array<i64: 1024, 64>}, {transform_indices = @transform_1, window_bounds = array<i64: 1024, 64>}, {transform_indices = @transform_2, window_bounds = array<i64: 1024, 1>}, {transform_indices = @transform_3, window_bounds = array<i64: 1024, 1>}, {transform_indices = @transform_4, window_bounds = array<i64: 1024, 128>}, {pipeline_mode = #tpu.pipeline_mode<synchronous>, transform_indices = @transform_5, window_bounds = array<i64: 64, 128>}, {pipeline_mode = #tpu.pipeline_mode<synchronous>, transform_indices = @transform_6, window_bounds = array<i64: 1, 64>}, {transform_indices = @transform_7, window_bounds = array<i64: 1024, 64>}]} {
    %get3A = arith.constant 0 : index
    %get3A_0 = arith.constant 0 : index
    %get3A_1 = vector.load %arg3[%get3A, %get3A_0] : memref<1024x1xf32, #tpu.memory_space<vmem>>, vector<1024x1xf32>
    %get3A_2 = arith.constant 0 : index
    %get3A_3 = arith.constant 0 : index
    %get3A_4 = vector.load %arg4[%get3A_2, %get3A_3] : memref<1024x1xf32, #tpu.memory_space<vmem>>, vector<1024x1xf32>
    %add3A = arith.addf %get3A_1, %get3A_4 : vector<1024x1xf32>
    %max3A = arith.constant 1.000000e+00 : f32
    %max3A_5 = vector.broadcast %max3A : f32 to vector<1024x1xf32>
    %max3A_6 = arith.maximumf %add3A, %max3A_5 : vector<1024x1xf32>
    %get3A_7 = arith.constant 0 : index
    %get3A_8 = arith.constant 0 : index
    %get3A_9 = vector.load %arg1[%get3A_7, %get3A_8] : memref<1024x64xf32, #tpu.memory_space<vmem>>, vector<1024x64xf32>
    %get3A_10 = arith.constant 0 : index
    %get3A_11 = arith.constant 0 : index
    %get3A_12 = vector.load %arg2[%get3A_10, %get3A_11] : memref<1024x64xf32, #tpu.memory_space<vmem>>, vector<1024x64xf32>
    %add3A_13 = arith.addf %get3A_9, %get3A_12 : vector<1024x64xf32>
    %div3A = vector.broadcast %max3A_6 : vector<1024x1xf32> to vector<1024x64xf32>
    %div3A_14 = arith.divf %add3A_13, %div3A : vector<1024x64xf32>
    %get3A_15 = arith.constant 0 : index
    %get3A_16 = arith.constant 0 : index
    %get3A_17 = vector.load %arg7[%get3A_15, %get3A_16] : memref<1x64xf32, #tpu.memory_space<vmem>>, vector<1x64xf32>
    %add3A_18 = vector.broadcast %get3A_17 : vector<1x64xf32> to vector<1024x64xf32>
    %add3A_19 = arith.addf %div3A_14, %add3A_18 : vector<1024x64xf32>
    %get3A_20 = arith.constant 0 : index
    %get3A_21 = arith.constant 0 : index
    %get3A_22 = vector.load %arg5[%get3A_20, %get3A_21] : memref<1024x128xf32, #tpu.memory_space<vmem>>, vector<1024x128xf32>
    %get3A_23 = arith.constant 0 : index
    %get3A_24 = arith.constant 0 : index
    %get3A_25 = vector.load %arg6[%get3A_23, %get3A_24] : memref<64x128xf32, #tpu.memory_space<vmem>>, vector<64x128xf32>
    %dot_general3A = arith.constant dense<0.000000e+00> : vector<1024x64xf32>
    %dot_general3A_26 = tpu.matmul %get3A_22, %get3A_25, %dot_general3A {dimension_numbers = #tpu.dot_dimension_numbers<[1], [1], [0], [0], [0, 0, 1, 0], [], []>, transpose_lhs_hint = false} : vector<1024x128xf32>, vector<64x128xf32>, vector<1024x64xf32> -> vector<1024x64xf32>
    %add3A_27 = arith.addf %add3A_19, %dot_general3A_26 : vector<1024x64xf32>
    %max3A_28 = arith.constant 0.000000e+00 : f32
    %max3A_29 = vector.broadcast %max3A_28 : f32 to vector<1024x64xf32>
    %max3A_30 = arith.maximumf %add3A_27, %max3A_29 : vector<1024x64xf32>
    %swap3A = arith.constant 0 : index
    %swap3A_31 = arith.constant 0 : index
    %swap3A_32 = vector.load %arg8[%swap3A, %swap3A_31] : memref<1024x64xf32, #tpu.memory_space<vmem>>, vector<1024x64xf32>
    tpu.vector_store %arg8[%swap3A, %swap3A_31], %max3A_30 {strides = array<i32>} : memref<1024x64xf32, #tpu.memory_space<vmem>>, vector<1024x64xf32>,
    return
  }
  func.func @transform_0(%arg0: i32) -> (i32, i32) {
    %c0_i32 = arith.constant 0 : i32
    %c0_i32_0 = arith.constant 0 : i32
    return %arg0, %c0_i32 : i32, i32
  }
  func.func @transform_1(%arg0: i32) -> (i32, i32) {
    %c0_i32 = arith.constant 0 : i32
    %c0_i32_0 = arith.constant 0 : i32
    return %arg0, %c0_i32 : i32, i32
  }
  func.func @transform_2(%arg0: i32) -> (i32, i32) {
    %c0_i32 = arith.constant 0 : i32
    %c0_i32_0 = arith.constant 0 : i32
    return %arg0, %c0_i32 : i32, i32
  }
  func.func @transform_3(%arg0: i32) -> (i32, i32) {
    %c0_i32 = arith.constant 0 : i32
    %c0_i32_0 = arith.constant 0 : i32
    return %arg0, %c0_i32 : i32, i32
  }
  func.func @transform_4(%arg0: i32) -> (i32, i32) {
    %c0_i32 = arith.constant 0 : i32
    %c0_i32_0 = arith.constant 0 : i32
    return %arg0, %c0_i32 : i32, i32
  }
  func.func @transform_5(%arg0: i32) -> (i32, i32) {
    %c0_i32 = arith.constant 0 : i32
    %c0_i32_0 = arith.constant 0 : i32
    %c0_i32_1 = arith.constant 0 : i32
    return %c0_i32, %c0_i32_0 : i32, i32
  }
  func.func @transform_6(%arg0: i32) -> (i32, i32) {
    %c0_i32 = arith.constant 0 : i32
    %c0_i32_0 = arith.constant 0 : i32
    %c0_i32_1 = arith.constant 0 : i32
    return %c0_i32, %c0_i32_0 : i32, i32
  }
  func.func @transform_7(%arg0: i32) -> (i32, i32) {
    %c0_i32 = arith.constant 0 : i32
    %c0_i32_0 = arith.constant 0 : i32
    return %arg0, %c0_i32 : i32, i32
  }
}

module attributes {stable_mosaic.version = 14 : i64} {
  func.func @_mm_kernel(%arg0: i32, %arg1: memref<1024x64xf32, #tpu.memory_space<vmem>>, %arg2: memref<32x64xf32, #tpu.memory_space<vmem>>, %arg3: memref<1024x32xf32, #tpu.memory_space<vmem>>) attributes {dimension_semantics = [#tpu.dimension_semantics<arbitrary>], iteration_bounds = array<i64: 10>, scalar_prefetch = 0 : i64, scratch_operands = 0 : i64, tpu.core_type = #tpu.core_type<tc>, window_params = [{transform_indices = @transform_0, window_bounds = array<i64: 1024, 64>}, {pipeline_mode = #tpu.pipeline_mode<synchronous>, transform_indices = @transform_1, window_bounds = array<i64: 32, 64>}, {transform_indices = @transform_2, window_bounds = array<i64: 1024, 32>}]} {
    %get3A = arith.constant 0 : index
    %get3A_0 = arith.constant 0 : index
    %get3A_1 = vector.load %arg1[%get3A, %get3A_0] : memref<1024x64xf32, #tpu.memory_space<vmem>>, vector<1024x64xf32>
    %get3A_2 = arith.constant 0 : index
    %get3A_3 = arith.constant 0 : index
    %get3A_4 = vector.load %arg2[%get3A_2, %get3A_3] : memref<32x64xf32, #tpu.memory_space<vmem>>, vector<32x64xf32>
    %dot_general3A = arith.constant dense<0.000000e+00> : vector<1024x32xf32>
    %dot_general3A_5 = tpu.matmul %get3A_1, %get3A_4, %dot_general3A {dimension_numbers = #tpu.dot_dimension_numbers<[1], [1], [0], [0], [0, 0, 1, 0], [], []>, transpose_lhs_hint = false} : vector<1024x64xf32>, vector<32x64xf32>, vector<1024x32xf32> -> vector<1024x32xf32>
    %swap3A = arith.constant 0 : index
    %swap3A_6 = arith.constant 0 : index
    %swap3A_7 = vector.load %arg3[%swap3A, %swap3A_6] : memref<1024x32xf32, #tpu.memory_space<vmem>>, vector<1024x32xf32>
    tpu.vector_store %arg3[%swap3A, %swap3A_6], %dot_general3A_5 {strides = array<i32>} : memref<1024x32xf32, #tpu.memory_space<vmem>>, vector<1024x32xf32>,
    return
  }
  func.func @transform_0(%arg0: i32) -> (i32, i32) {
    %c0_i32 = arith.constant 0 : i32
    %c0_i32_0 = arith.constant 0 : i32
    return %arg0, %c0_i32 : i32, i32
  }
  func.func @transform_1(%arg0: i32) -> (i32, i32) {
    %c0_i32 = arith.constant 0 : i32
    %c0_i32_0 = arith.constant 0 : i32
    %c0_i32_1 = arith.constant 0 : i32
    return %c0_i32, %c0_i32_0 : i32, i32
  }
  func.func @transform_2(%arg0: i32) -> (i32, i32) {
    %c0_i32 = arith.constant 0 : i32
    %c0_i32_0 = arith.constant 0 : i32
    return %arg0, %c0_i32 : i32, i32
  }
}

module attributes {stable_mosaic.version = 14 : i64} {
  func.func @_epilogue_kernel(%arg0: i32, %arg1: memref<1024x32xf32, #tpu.memory_space<vmem>>, %arg2: memref<1024x32xf32, #tpu.memory_space<vmem>>, %arg3: memref<1024x1xf32, #tpu.memory_space<vmem>>, %arg4: memref<1024x1xf32, #tpu.memory_space<vmem>>, %arg5: memref<1024x64xf32, #tpu.memory_space<vmem>>, %arg6: memref<32x64xf32, #tpu.memory_space<vmem>>, %arg7: memref<1x32xf32, #tpu.memory_space<vmem>>, %arg8: memref<1024x32xf32, #tpu.memory_space<vmem>>) attributes {dimension_semantics = [#tpu.dimension_semantics<arbitrary>], iteration_bounds = array<i64: 10>, scalar_prefetch = 0 : i64, scratch_operands = 0 : i64, tpu.core_type = #tpu.core_type<tc>, window_params = [{transform_indices = @transform_0, window_bounds = array<i64: 1024, 32>}, {transform_indices = @transform_1, window_bounds = array<i64: 1024, 32>}, {transform_indices = @transform_2, window_bounds = array<i64: 1024, 1>}, {transform_indices = @transform_3, window_bounds = array<i64: 1024, 1>}, {transform_indices = @transform_4, window_bounds = array<i64: 1024, 64>}, {pipeline_mode = #tpu.pipeline_mode<synchronous>, transform_indices = @transform_5, window_bounds = array<i64: 32, 64>}, {pipeline_mode = #tpu.pipeline_mode<synchronous>, transform_indices = @transform_6, window_bounds = array<i64: 1, 32>}, {transform_indices = @transform_7, window_bounds = array<i64: 1024, 32>}]} {
    %get3A = arith.constant 0 : index
    %get3A_0 = arith.constant 0 : index
    %get3A_1 = vector.load %arg3[%get3A, %get3A_0] : memref<1024x1xf32, #tpu.memory_space<vmem>>, vector<1024x1xf32>
    %get3A_2 = arith.constant 0 : index
    %get3A_3 = arith.constant 0 : index
    %get3A_4 = vector.load %arg4[%get3A_2, %get3A_3] : memref<1024x1xf32, #tpu.memory_space<vmem>>, vector<1024x1xf32>
    %add3A = arith.addf %get3A_1, %get3A_4 : vector<1024x1xf32>
    %max3A = arith.constant 1.000000e+00 : f32
    %max3A_5 = vector.broadcast %max3A : f32 to vector<1024x1xf32>
    %max3A_6 = arith.maximumf %add3A, %max3A_5 : vector<1024x1xf32>
    %get3A_7 = arith.constant 0 : index
    %get3A_8 = arith.constant 0 : index
    %get3A_9 = vector.load %arg1[%get3A_7, %get3A_8] : memref<1024x32xf32, #tpu.memory_space<vmem>>, vector<1024x32xf32>
    %get3A_10 = arith.constant 0 : index
    %get3A_11 = arith.constant 0 : index
    %get3A_12 = vector.load %arg2[%get3A_10, %get3A_11] : memref<1024x32xf32, #tpu.memory_space<vmem>>, vector<1024x32xf32>
    %add3A_13 = arith.addf %get3A_9, %get3A_12 : vector<1024x32xf32>
    %div3A = vector.broadcast %max3A_6 : vector<1024x1xf32> to vector<1024x32xf32>
    %div3A_14 = arith.divf %add3A_13, %div3A : vector<1024x32xf32>
    %get3A_15 = arith.constant 0 : index
    %get3A_16 = arith.constant 0 : index
    %get3A_17 = vector.load %arg7[%get3A_15, %get3A_16] : memref<1x32xf32, #tpu.memory_space<vmem>>, vector<1x32xf32>
    %add3A_18 = vector.broadcast %get3A_17 : vector<1x32xf32> to vector<1024x32xf32>
    %add3A_19 = arith.addf %div3A_14, %add3A_18 : vector<1024x32xf32>
    %get3A_20 = arith.constant 0 : index
    %get3A_21 = arith.constant 0 : index
    %get3A_22 = vector.load %arg5[%get3A_20, %get3A_21] : memref<1024x64xf32, #tpu.memory_space<vmem>>, vector<1024x64xf32>
    %get3A_23 = arith.constant 0 : index
    %get3A_24 = arith.constant 0 : index
    %get3A_25 = vector.load %arg6[%get3A_23, %get3A_24] : memref<32x64xf32, #tpu.memory_space<vmem>>, vector<32x64xf32>
    %dot_general3A = arith.constant dense<0.000000e+00> : vector<1024x32xf32>
    %dot_general3A_26 = tpu.matmul %get3A_22, %get3A_25, %dot_general3A {dimension_numbers = #tpu.dot_dimension_numbers<[1], [1], [0], [0], [0, 0, 1, 0], [], []>, transpose_lhs_hint = false} : vector<1024x64xf32>, vector<32x64xf32>, vector<1024x32xf32> -> vector<1024x32xf32>
    %add3A_27 = arith.addf %add3A_19, %dot_general3A_26 : vector<1024x32xf32>
    %swap3A = arith.constant 0 : index
    %swap3A_28 = arith.constant 0 : index
    %swap3A_29 = vector.load %arg8[%swap3A, %swap3A_28] : memref<1024x32xf32, #tpu.memory_space<vmem>>, vector<1024x32xf32>
    tpu.vector_store %arg8[%swap3A, %swap3A_28], %add3A_27 {strides = array<i32>} : memref<1024x32xf32, #tpu.memory_space<vmem>>, vector<1024x32xf32>,
    return
  }
  func.func @transform_0(%arg0: i32) -> (i32, i32) {
    %c0_i32 = arith.constant 0 : i32
    %c0_i32_0 = arith.constant 0 : i32
    return %arg0, %c0_i32 : i32, i32
  }
  func.func @transform_1(%arg0: i32) -> (i32, i32) {
    %c0_i32 = arith.constant 0 : i32
    %c0_i32_0 = arith.constant 0 : i32
    return %arg0, %c0_i32 : i32, i32
  }
  func.func @transform_2(%arg0: i32) -> (i32, i32) {
    %c0_i32 = arith.constant 0 : i32
    %c0_i32_0 = arith.constant 0 : i32
    return %arg0, %c0_i32 : i32, i32
  }
  func.func @transform_3(%arg0: i32) -> (i32, i32) {
    %c0_i32 = arith.constant 0 : i32
    %c0_i32_0 = arith.constant 0 : i32
    return %arg0, %c0_i32 : i32, i32
  }
  func.func @transform_4(%arg0: i32) -> (i32, i32) {
    %c0_i32 = arith.constant 0 : i32
    %c0_i32_0 = arith.constant 0 : i32
    return %arg0, %c0_i32 : i32, i32
  }
  func.func @transform_5(%arg0: i32) -> (i32, i32) {
    %c0_i32 = arith.constant 0 : i32
    %c0_i32_0 = arith.constant 0 : i32
    %c0_i32_1 = arith.constant 0 : i32
    return %c0_i32, %c0_i32_0 : i32, i32
  }
  func.func @transform_6(%arg0: i32) -> (i32, i32) {
    %c0_i32 = arith.constant 0 : i32
    %c0_i32_0 = arith.constant 0 : i32
    %c0_i32_1 = arith.constant 0 : i32
    return %c0_i32, %c0_i32_0 : i32, i32
  }
  func.func @transform_7(%arg0: i32) -> (i32, i32) {
    %c0_i32 = arith.constant 0 : i32
    %c0_i32_0 = arith.constant 0 : i32
    return %arg0, %c0_i32 : i32, i32
  }
}

</mosaic_0001>

<sc_bundles>
// kernel: kernel.11.cloned.1.call-start
scs
__scs_entry_jumppad:
0x0: {  	(pc) =	sbr.rel $0x88, $3  }
0x1: {  	(tag) =	ssettag $0x0;
	lr =	simm.s32 $0x1  }
0x2: {  	[smem:$0x3F99] =	sst lr;
	_ =	strace $0xD0000000  }
0x3: {  	_ = 	snop  }
0x4: {  	_ = 	snop  }
0x5: {  	_ = 	snop  }
0x6: {  	_ = 	snop  }
0x7: {  	_ = 	snop  }
__scs_overlays_trampoline_lowered:
0x8: {  	[smem:$0x3FA8] =	sst s0  }
0x9: {  	[smem:$0x3FA9] =	sst s1  }
0xa: {  	[smem:$0x3FAA] =	sst s2  }
0xb: {  	[smem:$0x3FAB] =	sst s3  }
0xc: {  	[smem:$0x3FAC] =	sst s4  }
0xd: {  	[smem:$0x3FAD] =	sst s5  }
0xe: {  	[smem:$0x3FAE] =	sst s6  }
0xf: {  	[smem:$0x3FAF] =	sst s7  }
0x10: {  	[smem:$0x3FB0] =	sst s8  }
0x11: {  	[smem:$0x3FB1] =	sst s9;
	s0 =	simm.s32 @!p0 $0x0  }
0x12: {  	s1 =	sld [smem:$0x3F97];
	s0 =	simm.s32 @p0 $0x1  }
0x13: {  	[smem:$0x3FB2] =	sst s0;
	s0 =	simm.s32 @!p1 $0x0  }
0x14: {  	s2 =	sld [smem:$0x3F96];
	s0 =	simm.s32 @p1 $0x1  }
0x15: {  	[smem:$0x3FB3] =	sst s0;
	s0 =	simm.s32 @!p2 $0x0  }
0x16: {  	s3 =	sld [smem:$0x3FDB];
	s0 =	simm.s32 @p2 $0x1  }
0x17: {  	s4 =	simm.s32 $0x1BF5;
	[smem:$0x3FB5] =	sst s0  }
0x18: {  	s0 =	sld [smem:$0x3F98];
	_ =	swait.ge [sflag:s4], $0x0  }
0x19: {  	s7 =	sld [smem:$0x3F99]  }
0x1a: {  	s8 =	sadd.s32 $0xFFFFE003, lr  }
0x1b: {  	s9 =	sadd.s32 $0xFFFFFEF7, lr;
	s5 =	simm.s32 $0xFFFFFFFF;
	p2 =	slt.u32 s8, $0xFFFFF086  }
0x1c: {  	p1 =	slt.u32 s9, $0xF7A;
	s5 =	simm.s32 @!p2 $0x0  }
0x1d: {  	s5 =	simm.s32 @p1 $0x1;
	p0 =	seq.s32 s7, s2  }
0x1e: {  	s7 =	smul.u32 @!p0 $0xF7A, s2;
	p2 =	seq.s32 @!p0 s5, $0x0  }
0x1f: {  	s9 =	smul.u32 $0xF7A, s1;
	s8 =	simm.s32 @!p0 $0x1BF5;
	p2 =	por !p2, p0  }
0x20: {  	[sflag:s8] =	ssyncset.s32 @!p0 $0xFFFFF086;
	s6 =	sadd.s32 @!p0 s3, s7;
	s7 =	simm.s32 @!p0 $0x108  }
0x21: {  	s3 =	sadd.s32 s3, s9;
	s6 =	sadd.s32 @!p0 $0x88, s6;
	s7 =	simm.s32 @p2 $0x1082  }
0x22: {  	[simem:s7], [sflag:s8] =	dma.local @!p0 [hbm:s6], $0xF7A  }
0x23: {  	s9 =	sor.u32 $0xD0000000, s2;
	s6 =	simm.s32 $0x108;
	_ =	swait.ge @!p0 [sflag:s8], $0x0  }
0x24: {  	s3 =	sadd.s32 $0x88, s3;
	s6 =	simm.s32 @!p1 $0x1082;
	[sflag:s4] =	ssyncset.s32 $0xFFFFF086  }
0x25: {  	[simem:s6], [sflag:s4] =	dma.local [hbm:s3], $0xF7A  }
0x26: {  	[smem:$0x3F99] =	sst s1;
	(tag) =	ssettag s2;
	_ =	strace s9  }
0x27: {  	s1 =	sld [smem:$0x3FA9]  }
0x28: {  	s2 =	sld [smem:$0x3FAA]  }
0x29: {  	s4 =	sld [smem:$0x3FAC]  }
0x2a: {  	p0 =	seq.s32 s5, $0x0;
	s5 =	sld [smem:$0x3FAD]  }
0x2b: {  	s6 =	sld [smem:$0x3FAE]  }
0x2c: {  	s7 =	sld [smem:$0x3FAF]  }
0x2d: {  	s3 =	simm.s32 $0x108;
	s8 =	sld [smem:$0x3FB0]  }
0x2e: {  	s3 =	simm.s32 @!p0 $0x1082;
	s9 =	sld [smem:$0x3FB1]  }
0x2f: {  	lr =	sadd.s32 s0, s3;
	s0 =	sld [smem:$0x3FA8]  }
0x30: {  	s3 =	sld [smem:$0x3FAB]  }
0x31: {  	[smem:$0x3FB4] =	sst s10  }
0x32: {  	s10 =	sld [smem:$0x3FB2];
	_ =	sdelay $0x3  }
0x33: {  	p0 =	seq.s32 s10, $0x1;
	s10 =	sld [smem:$0x3FB4];
	_ =	sdelay $0x3  }
0x34: {  	[smem:$0x3FB4] =	sst s10  }
0x35: {  	s10 =	sld [smem:$0x3FB3];
	_ =	sdelay $0x3  }
0x36: {  	p1 =	seq.s32 s10, $0x1;
	s10 =	sld [smem:$0x3FB4];
	_ =	sdelay $0x3  }
0x37: {  	[smem:$0x3FB4] =	sst s10  }
0x38: {  	s10 =	sld [smem:$0x3FB5]  }
0x39: {  	_ = 	snop;
	(pc) =	sbr.ind lr, $3  }
0x3a: {  	_ = 	snop  }
0x3b: {  	_ = 	snop  }
0x3c: {  	p2 =	seq.s32 s10, $0x1;
	s10 =	sld [smem:$0x3FB4]  }
0x3d: {  	_ =	shalt  }
0x3e: {  	_ =	shalt  }
0x3f: {  	_ =	shalt  }
0x40: {  	_ =	shalt  }
0x41: {  	_ =	shalt  }
0x42: {  	_ =	shalt  }
0x43: {  	_ =	shalt  }
0x44: {  	_ =	shalt  }
0x45: {  	_ =	shalt  }
0x46: {  	_ =	shalt  }
0x47: {  	_ =	shalt  }
0x48: {  	_ =	shalt  }
0x49: {  	_ =	shalt  }
0x4a: {  	_ =	shalt  }
0x4b: {  	_ =	shalt  }
0x4c: {  	_ =	shalt  }
0x4d: {  	_ =	shalt  }
0x4e: {  	_ =	shalt  }
0x4f: {  	_ =	shalt  }
0x50: {  	_ =	shalt  }
0x51: {  	_ =	shalt  }
0x52: {  	_ =	shalt  }
0x53: {  	_ =	shalt  }
0x54: {  	_ =	shalt  }
0x55: {  	_ =	shalt  }
0x56: {  	_ =	shalt  }
0x57: {  	_ =	shalt  }
0x58: {  	_ =	shalt  }
0x59: {  	_ =	shalt  }
0x5a: {  	_ =	shalt  }
0x5b: {  	_ =	shalt  }
0x5c: {  	_ =	shalt  }
0x5d: {  	_ =	shalt  }
0x5e: {  	_ =	shalt  }
0x5f: {  	_ =	shalt  }
0x60: {  	_ =	shalt  }
0x61: {  	_ =	shalt  }
0x62: {  	_ =	shalt  }
0x63: {  	_ =	shalt  }
0x64: {  	_ =	shalt  }
0x65: {  	_ =	shalt  }
0x66: {  	_ =	shalt  }
0x67: {  	_ =	shalt  }
0x68: {  	_ =	shalt  }
0x69: {  	_ =	shalt  }
0x6a: {  	_ =	shalt  }
0x6b: {  	_ =	shalt  }
0x6c: {  	_ =	shalt  }
0x6d: {  	_ =	shalt  }
0x6e: {  	_ =	shalt  }
0x6f: {  	_ =	shalt  }
0x70: {  	_ =	shalt  }
0x71: {  	_ =	shalt  }
0x72: {  	_ =	shalt  }
0x73: {  	_ =	shalt  }
0x74: {  	_ =	shalt  }
0x75: {  	_ =	shalt  }
0x76: {  	_ =	shalt  }
0x77: {  	_ =	shalt  }
0x78: {  	_ =	shalt  }
0x79: {  	_ =	shalt  }
0x7a: {  	_ =	shalt  }
0x7b: {  	_ =	shalt  }
0x7c: {  	_ =	shalt  }
0x7d: {  	_ =	shalt  }
0x7e: {  	_ =	shalt  }
0x7f: {  	_ =	shalt  }
0x80: {  	_ =	shalt  }
0x81: {  	_ =	shalt  }
0x82: {  	_ =	shalt  }
0x83: {  	_ =	shalt  }
0x84: {  	_ =	shalt  }
0x85: {  	_ =	shalt  }
0x86: {  	_ =	shalt  }
0x87: {  	_ =	shalt  }
.Lfunc_end0:
.L_simem_size_0:
called_computation.1_lowered:
.L_overlay_start_0:
0x88: {  	s2 =	sld [smem:$0x3FD9]  }
0x89: {  	s3 =	sld [smem:$0x3FFE];
	_ =	sdelay $0x1  }
0x8a: {  	s1 =	srdreg.scid  }
0x8b: {  	s0 =	sand.u32 $0x1, s1  }
0x8c: {  	s16 =	sshll.u32 s0, $0xA;
	s2 =	sadd.s32 s3, s2  }
0x8d: {  	s2 =	sadd.s32 s2, s16  }
0x8e: {  	[smem:$0x3FC0] =	sst s2  }
0x8f: {  	_ = 	snop  }
0x90: {  	(tm) =	ssettm $0x1  }
0x91: {  	s17 =	sld [smem:$0x3FFB];
	_ =	sdelay $0x3  }
0x92: {  	_ =	strace s17  }
0x93: {  	s2 =	sld [smem:$0x3FFC];
	_ =	sdelay $0x3  }
0x94: {  	_ =	strace s2  }
0x95: {  	s2 =	sld [smem:$0x3FFD];
	_ =	sdelay $0x3  }
0x96: {  	_ =	strace s2  }
0x97: {  	_ =	strace $0x8FFFFFFF  }
0x98: {  	s18 =	sld [smem:$0x3FDB];
	_ =	sdelay $0x1  }
0x99: {  	s19 =	simm.s32 $_scs_section_size  }
0x9a: {  	s4 =	simm.s32 $_size__tile_overlayer_lowered;
	s5 =	simm.s32 $_tile_overlayer_lowered  }
0x9b: {  	s22 =	simm.s32 $0x1BFF;
	s21 =	sshll.u32 s5, $0x1;
	s2 =	sadd.s32 s19, s18  }
0x9c: {  	s6 =	simm.s32 $0x0;
	s20 =	sshll.u32 s4, $0x1;
	s4 =	sadd.s32 s21, s2  }
0x9d: {  	[timem:s6], [sflag:s22] =	dma.local [hbm:s4], s20  }
0x9e: {  	_ =	swait.ge [sflag:s22], s20  }
0x9f: {  	s3 =	ssub.s32 $0x0, s20;
	[sflag:s22] =	ssyncset.done $0x0  }
0xa0: {  	[sflag:s22] =	ssyncadd.s32 s3;
	_ =	sdelay $0x1  }
0xa1: {  	s23 =	simm.s32 $0x1B8B  }
0xa2: {  	_ =	swait.ge [sflag:s23], $0x1  }
0xa3: {  	[sflag:s23] =	ssyncset.done $0x0  }
0xa4: {  	s25 =	simm.s32 $0x1B8E;
	s24 =	sld [smem:$0x3FFE];
	[sflag:s23] =	ssyncadd.s32 $0xFFFFFFFF  }
0xa5: {  	s26 =	simm.s32 $execute0_lowered;
	[smem:$0x3FD2] =	sst s25  }
0xa6: {  	s4 =	sshll.u32 s26, $0x1;
	_ =	strace $0x80000049;
	[dreg:$0x1] =	wrdreg $0xFFFFFFFF  }
0xa7: {  	s28 =	simm.s32 $_size_execute0_lowered;
	s2 =	sadd.s32 s2, s4;
	[dreg:$0x0] =	wrdreg $0x0  }
0xa8: {  	s4 =	sshll.u32 s28, $0x1;
	[dreg:$0x2] =	wrdreg s2  }
0xa9: {  	[dreg:$0x3] =	wrdreg s4  }
0xaa: {  	[dreg:$0x4] =	wrdreg $0xC0  }
0xab: {  	_ =	task [dreg:s6], $0x5FFFF  }
0xac: {  	[dreg:$0x1] =	wrdreg $0xFFFFFFFF  }
0xad: {  	[dreg:$0x0] =	wrdreg $0x60  }
0xae: {  	[dreg:$0x2] =	wrdreg s24  }
0xaf: {  	[dreg:$0x3] =	wrdreg $0x98000  }
0xb0: {  	[dreg:$0x4] =	wrdreg $0x9  }
0xb1: {  	_ =	task.clear_ibuf [dreg:s6], $0x5FFFF;
	_ =	strace $0x90000049  }
0xb2: {  	s29 =	simm.s32 $0x9;
	_ =	strace $0x8000004B  }
0xb3: {  	_ =	swait.ge [sflag:s29], $0x1  }
0xb4: {  	[sflag:s29] =	ssyncadd.s32 $0xFFFFFFFF  }
0xb5: {  	_ =	strace $0x9000004B  }
0xb6: {  	_ =	sfence  }
0xb7: {  	s30 =	sld [smem:$0x0];
	_ =	sdelay $0x2  }
0xb8: {  	s31 =	sshll.u32 s1, $0xD;
	s1 =	sshrl.u32 s1, $0x2  }
0xb9: {  	s3 =	sand.u32 $0x4000, s31;
	s1 =	sadd.s32 s1, s30  }
0xba: {  	s0 =	sor.u32 s3, s0;
	s1 =	sshll.u32 s1, $0x11  }
0xbb: {  	s0 =	sor.u32 s1, s0  }
0xbc: {  	s0 =	sadd.s32 $0x8F2B, s0  }
0xbd: {  	[sflag:s0] =	ssyncadd.remote.s32 $0x1  }
0xbe: {  	_ =	sfence.sel $0xFFFF  }
0xbf: {  	[dreg:$0x0] =	wrdreg $0xFFFFFFFF;
	(pc) =	sbr.abs _section_cstart, $3  }
0xc0: {  	[dreg:$0x1] =	wrdreg $0xFFFFFFFF  }
0xc1: {  	_ =	task.clear_ibuf [dreg:s6], $0x2FFFF;
	_ =	strace $0x9FFFFFFF  }
0xc2: {  	(tm) =	ssettm $0x7FFFFFFF  }
0xc3: {  	_ =	shalt  }
tec
execute0_lowered:
.L_overlay_start_1:
0x0: {  	(tag) =	ssettag $0x1  }
0x1: {  	s0 =	srdreg.scid;
	s5 =	rddreg [dreg:$0x0];
	s19 =	simm.s32 $0x9000  }
0x2: {  	s20 =	simm.s32 $0x2;
	s21 =	simm.s32 $0x2800;
	s22 =	simm.s32 $0x80  }
0x3: {  	s23 =	simm.s32 $0x5000;
	s24 =	simm.s32 $0x1;
	s1 =	sand.u32 $0x1, s0  }
0x4: {  	s25 =	simm.s32 $0x6000;
	s0 =	stileid.u32;
	s7 =	smul.u32 $0xA000, s1  }
0x5: {  	s26 =	simm.s32 $0x7000;
	s28 =	simm.s32 $0x8000;
	s8 =	smul.u32 $0xA00, s0  }
0x6: {  	s4 =	sadd.s32 $0x29E00, s5;
	s2 =	sshll.u32 s1, $0x4;
	s9 =	smul.u32 $0x14000, s0  }
0x7: {  	s1 =	ssub.s32 $0x2, s1;
	s3 =	sor.u32 s0, s2;
	s2 =	rddreg [dreg:$0x1]  }
0x8: {  	s30 =	sshrl.u32 s1, $0x1;
	s6 =	smul.u32 $0x500, s3;
	s3 =	simm.s32 $0x0  }
0x9: {  	s29 =	sadd.s32 s8, s7;
	s31 =	sshrl.u32 s9, $0x2;
	s1 =	ssub.s32 s1, s30  }
0xa: {  	[smem:$0x7FF] =	sst s3;
	s8 =	sadd.s32 s29, s5;
	s9 =	smax.u32 s1, $0x1  }
0xb: {  	_ =	strace $0x8000004A;
	s10 =	sadd.s32 s6, s5;
	s5 =	sadd.s32 s31, s2  }
0xc: {  	s8 =	sadd.s32 $0x79E00, s8;
	s6 =	sadd.s32 $0x3DE00, s10;
	s7 =	sadd.s32 $0x47E00, s10  }
0xd: {  	s10 =	sadd.s32 $0x800, s5;
	s11 =	sadd.s32 $0x1000, s5;
	s12 =	sadd.s32 $0x1800, s5  }
0xe: {  	s13 =	sadd.s32 $0x2000, s5;
	s14 =	sadd.s32 $0x2800, s5;
	s15 =	sadd.s32 $0x3000, s5  }
0xf: {  	v0 =	vimm.f32 $0.0e+00;
	s16 =	sadd.s32 $0x3800, s5;
	s17 =	sadd.s32 $0x4000, s5;
	s18 =	sadd.s32 $0x4800, s5  }
.LBB2_1:
0x10: {  	s29 =	simm.s32 $0x80;
	s1 =	simm.s32 $0x0  }
.LBB2_2:
0x11: {  	p0 =	sne.s32 s29, $0x1F80;
	[tilespmem:s1+$0x9000] =	vst v0;
	s30 =	smov.u32 s29;
	s29 =	sadd.s32 $0x80, s29  }
.Ltmp0:
0x12: {  	[tilespmem:s1+$0x9010] =	vst v0;
	(pc) =	sbr.rel @p0 .LBB2_2-.Ltmp0, $2  }
0x13: {  	_ =	sdelay $0x2  }
0x14: {  	s1 =	sshra.s32 s30, $0x2  }
0x15: {  	[tilespmem:s1+$0x9000] =	vst v0  }
0x16: {  	[tilespmem:s1+$0x9010] =	vst v0  }
0x17: {  	[spmem:s5] =	stream.linear.scatter [tilespmem:s19], [sflag:$0x2], $0x800, $0x38;
	[tilespmem:$0xE800] =	vst v63  }
0x18: {  	_ =	swait.ge [sflag:s20], $0x800  }
0x19: {  	[sflag:s20] =	ssyncset.done $0x0  }
0x1a: {  	[sflag:s20] =	ssyncadd.s32 $0xFFFFF800  }
0x1b: {  	[spmem:s10] =	stream.linear.scatter [tilespmem:s19], [sflag:$0x2], $0x800, $0x38;
	[tilespmem:$0xE800] =	vst v63  }
0x1c: {  	_ =	swait.ge [sflag:s20], $0x800  }
0x1d: {  	[sflag:s20] =	ssyncset.done $0x0  }
0x1e: {  	[sflag:s20] =	ssyncadd.s32 $0xFFFFF800  }
0x1f: {  	[spmem:s11] =	stream.linear.scatter [tilespmem:s19], [sflag:$0x2], $0x800, $0x38;
	[tilespmem:$0xE800] =	vst v63  }
0x20: {  	_ =	swait.ge [sflag:s20], $0x800  }
0x21: {  	[sflag:s20] =	ssyncset.done $0x0  }
0x22: {  	[sflag:s20] =	ssyncadd.s32 $0xFFFFF800  }
0x23: {  	[spmem:s12] =	stream.linear.scatter [tilespmem:s19], [sflag:$0x2], $0x800, $0x38;
	[tilespmem:$0xE800] =	vst v63  }
0x24: {  	_ =	swait.ge [sflag:s20], $0x800  }
0x25: {  	[sflag:s20] =	ssyncset.done $0x0  }
0x26: {  	[sflag:s20] =	ssyncadd.s32 $0xFFFFF800  }
0x27: {  	[spmem:s13] =	stream.linear.scatter [tilespmem:s19], [sflag:$0x2], $0x800, $0x38;
	[tilespmem:$0xE800] =	vst v63  }
0x28: {  	_ =	swait.ge [sflag:s20], $0x800  }
0x29: {  	[sflag:s20] =	ssyncset.done $0x0  }
0x2a: {  	[sflag:s20] =	ssyncadd.s32 $0xFFFFF800  }
0x2b: {  	[spmem:s14] =	stream.linear.scatter [tilespmem:s19], [sflag:$0x2], $0x800, $0x38;
	[tilespmem:$0xE800] =	vst v63  }
0x2c: {  	_ =	swait.ge [sflag:s20], $0x800  }
0x2d: {  	[sflag:s20] =	ssyncset.done $0x0  }
0x2e: {  	[sflag:s20] =	ssyncadd.s32 $0xFFFFF800  }
0x2f: {  	[spmem:s15] =	stream.linear.scatter [tilespmem:s19], [sflag:$0x2], $0x800, $0x38;
	[tilespmem:$0xE800] =	vst v63  }
0x30: {  	_ =	swait.ge [sflag:s20], $0x800  }
0x31: {  	[sflag:s20] =	ssyncset.done $0x0  }
0x32: {  	[sflag:s20] =	ssyncadd.s32 $0xFFFFF800  }
0x33: {  	[spmem:s16] =	stream.linear.scatter [tilespmem:s19], [sflag:$0x2], $0x800, $0x38;
	[tilespmem:$0xE800] =	vst v63  }
0x34: {  	_ =	swait.ge [sflag:s20], $0x800  }
0x35: {  	[sflag:s20] =	ssyncset.done $0x0  }
0x36: {  	[sflag:s20] =	ssyncadd.s32 $0xFFFFF800  }
0x37: {  	[spmem:s17] =	stream.linear.scatter [tilespmem:s19], [sflag:$0x2], $0x800, $0x38;
	[tilespmem:$0xE800] =	vst v63  }
0x38: {  	_ =	swait.ge [sflag:s20], $0x800  }
0x39: {  	[sflag:s20] =	ssyncset.done $0x0  }
0x3a: {  	[sflag:s20] =	ssyncadd.s32 $0xFFFFF800  }
0x3b: {  	[spmem:s18] =	stream.linear.scatter [tilespmem:s19], [sflag:$0x2], $0x800, $0x38;
	[tilespmem:$0xE800] =	vst v63  }
0x3c: {  	_ =	swait.ge [sflag:s20], $0x800  }
0x3d: {  	[sflag:s20] =	ssyncset.done $0x0  }
0x3e: {  	[sflag:s20] =	ssyncadd.s32 $0xFFFFF800  }
0x3f: {  	s31 =	simm.s32 $0x0;
	[bflag:$0x0] =	sbarrier.arrive $0xFFFF  }
0x40: {  	[tilespmem:s31], [sflag:$0x2] =	stream.linear.gather [hbm4b:s6+s31], $0x2800, $0x38;
	[tilespmem:$0xE800] =	vst v63  }
0x41: {  	_ =	swait.ge [sflag:s20], $0x2800  }
0x42: {  	[sflag:s20] =	ssyncset.done $0x0  }
0x43: {  	[sflag:s20] =	ssyncadd.s32 $0xFFFFD800  }
0x44: {  	[tilespmem:s21], [sflag:$0x2] =	stream.linear.gather [hbm4b:s7+s31], $0x2800, $0x38;
	[tilespmem:$0xE800] =	vst v63  }
0x45: {  	_ =	swait.ge [sflag:s20], $0x2800  }
0x46: {  	[sflag:s20] =	ssyncset.done $0x0  }
0x47: {  	s31 =	simm.s32 $0x0;
	[sflag:s20] =	ssyncadd.s32 $0xFFFFD800  }
0x48: {  	[tilespmem:s23], [sflag:$0x1] =	stream.indirect.gather [hbm4b:s4+s22], $0x20, s31, s22, $0xb8;
	[tilespmem:$0xE800] =	vst v63  }
0x49: {  	_ =	swait.ge [sflag:s24], $0x1000  }
0x4a: {  	[sflag:s24] =	ssyncset.done $0x0  }
0x4b: {  	s31 =	simm.s32 $0x2800;
	[sflag:s24] =	ssyncadd.s32 $0xFFFFF000  }
0x4c: {  	[spmem:s2] =	stream.indirect.scatter.add.f32 [tilespmem:s23], [sflag:$0x2], $0x20, s31, s22, $0xb8;
	[tilespmem:$0xE800] =	vst v63  }
0x4d: {  	_ =	swait.ge [sflag:s20], $0x1000  }
0x4e: {  	[sflag:s20] =	ssyncset.done $0x0  }
0x4f: {  	s31 =	simm.s32 $0x80;
	[sflag:s20] =	ssyncadd.s32 $0xFFFFF000  }
0x50: {  	[tilespmem:s25], [sflag:$0x1] =	stream.indirect.gather [hbm4b:s4+s22], $0x20, s31, s22, $0xb8;
	[tilespmem:$0xE800] =	vst v63  }
0x51: {  	_ =	swait.ge [sflag:s24], $0x1000  }
0x52: {  	[sflag:s24] =	ssyncset.done $0x0  }
0x53: {  	s31 =	simm.s32 $0x2880;
	[sflag:s24] =	ssyncadd.s32 $0xFFFFF000  }
0x54: {  	[spmem:s2] =	stream.indirect.scatter.add.f32 [tilespmem:s25], [sflag:$0x2], $0x20, s31, s22, $0xb8;
	[tilespmem:$0xE800] =	vst v63  }
0x55: {  	_ =	swait.ge [sflag:s20], $0x1000  }
0x56: {  	[sflag:s20] =	ssyncset.done $0x0  }
0x57: {  	s31 =	simm.s32 $0x100;
	[sflag:s20] =	ssyncadd.s32 $0xFFFFF000  }
0x58: {  	[tilespmem:s26], [sflag:$0x1] =	stream.indirect.gather [hbm4b:s4+s22], $0x20, s31, s22, $0xb8;
	[tilespmem:$0xE800] =	vst v63  }
0x59: {  	_ =	swait.ge [sflag:s24], $0x1000  }
0x5a: {  	[sflag:s24] =	ssyncset.done $0x0  }
0x5b: {  	s31 =	simm.s32 $0x2900;
	[sflag:s24] =	ssyncadd.s32 $0xFFFFF000  }
0x5c: {  	[spmem:s2] =	stream.indirect.scatter.add.f32 [tilespmem:s26], [sflag:$0x2], $0x20, s31, s22, $0xb8;
	[tilespmem:$0xE800] =	vst v63  }
0x5d: {  	_ =	swait.ge [sflag:s20], $0x1000  }
0x5e: {  	[sflag:s20] =	ssyncset.done $0x0  }
0x5f: {  	s31 =	simm.s32 $0x180;
	[sflag:s20] =	ssyncadd.s32 $0xFFFFF000  }
0x60: {  	[tilespmem:s28], [sflag:$0x1] =	stream.indirect.gather [hbm4b:s4+s22], $0x20, s31, s22, $0xb8;
	[tilespmem:$0xE800] =	vst v63  }
0x61: {  	_ =	swait.ge [sflag:s24], $0x1000  }
0x62: {  	[sflag:s24] =	ssyncset.done $0x0  }
0x63: {  	s31 =	simm.s32 $0x2980;
	[sflag:s24] =	ssyncadd.s32 $0xFFFFF000  }
0x64: {  	[spmem:s2] =	stream.indirect.scatter.add.f32 [tilespmem:s28], [sflag:$0x2], $0x20, s31, s22, $0xb8;
	[tilespmem:$0xE800] =	vst v63  }
0x65: {  	_ =	swait.ge [sflag:s20], $0x1000  }
0x66: {  	s29 =	simm.s32 $0x800;
	s30 =	simm.s32 $0x1000;
	[sflag:s20] =	ssyncset.done $0x0  }
.LBB2_4:
0x67: {  	s31 =	sshra.s32 s29, $0x2  }
0x68: {  	[sflag:s20] =	ssyncadd.s32 $0xFFFFF000;
	s29 =	smov.u32 s30;
	s1 =	sadd.s32 $0x800, s30  }
0x69: {  	[tilespmem:s23], [sflag:$0x1] =	stream.indirect.gather [hbm4b:s4+s22], $0x20, s31, s22, $0xb8;
	[tilespmem:$0xE800] =	vst v63  }
0x6a: {  	p0 =	sne.s32 s30, $0x9800;
	_ =	swait.ge [sflag:s24], $0x1000  }
0x6b: {  	[sflag:s24] =	ssyncset.done $0x0  }
0x6c: {  	s30 =	sadd.s32 $0x2800, s31;
	[sflag:s24] =	ssyncadd.s32 $0xFFFFF000  }
0x6d: {  	[spmem:s2] =	stream.indirect.scatter.add.f32 [tilespmem:s23], [sflag:$0x2], $0x20, s30, s22, $0xb8;
	[tilespmem:$0xE800] =	vst v63  }
0x6e: {  	_ =	swait.ge [sflag:s20], $0x1000  }
0x6f: {  	[sflag:s20] =	ssyncset.done $0x0  }
0x70: {  	s30 =	sadd.s32 $0x80, s31;
	[sflag:s20] =	ssyncadd.s32 $0xFFFFF000  }
0x71: {  	[tilespmem:s25], [sflag:$0x1] =	stream.indirect.gather [hbm4b:s4+s22], $0x20, s30, s22, $0xb8;
	[tilespmem:$0xE800] =	vst v63  }
0x72: {  	_ =	swait.ge [sflag:s24], $0x1000  }
0x73: {  	[sflag:s24] =	ssyncset.done $0x0  }
0x74: {  	s30 =	sadd.s32 $0x2880, s31;
	[sflag:s24] =	ssyncadd.s32 $0xFFFFF000  }
0x75: {  	[spmem:s2] =	stream.indirect.scatter.add.f32 [tilespmem:s25], [sflag:$0x2], $0x20, s30, s22, $0xb8;
	[tilespmem:$0xE800] =	vst v63  }
0x76: {  	_ =	swait.ge [sflag:s20], $0x1000  }
0x77: {  	[sflag:s20] =	ssyncset.done $0x0  }
0x78: {  	s30 =	sadd.s32 $0x100, s31;
	[sflag:s20] =	ssyncadd.s32 $0xFFFFF000  }
0x79: {  	[tilespmem:s26], [sflag:$0x1] =	stream.indirect.gather [hbm4b:s4+s22], $0x20, s30, s22, $0xb8;
	[tilespmem:$0xE800] =	vst v63  }
0x7a: {  	_ =	swait.ge [sflag:s24], $0x1000  }
0x7b: {  	[sflag:s24] =	ssyncset.done $0x0  }
0x7c: {  	s30 =	sadd.s32 $0x2900, s31;
	[sflag:s24] =	ssyncadd.s32 $0xFFFFF000  }
0x7d: {  	[spmem:s2] =	stream.indirect.scatter.add.f32 [tilespmem:s26], [sflag:$0x2], $0x20, s30, s22, $0xb8;
	[tilespmem:$0xE800] =	vst v63  }
0x7e: {  	_ =	swait.ge [sflag:s20], $0x1000  }
0x7f: {  	[sflag:s20] =	ssyncset.done $0x0  }
0x80: {  	s30 =	sadd.s32 $0x180, s31;
	[sflag:s20] =	ssyncadd.s32 $0xFFFFF000  }
0x81: {  	[tilespmem:s28], [sflag:$0x1] =	stream.indirect.gather [hbm4b:s4+s22], $0x20, s30, s22, $0xb8;
	[tilespmem:$0xE800] =	vst v63  }
0x82: {  	_ =	swait.ge [sflag:s24], $0x1000  }
.Ltmp1:
0x83: {  	[sflag:s24] =	ssyncset.done $0x0;
	(pc) =	sbr.rel @p0 .LBB2_4-.Ltmp1, $4  }
0x84: {  	s30 =	sadd.s32 $0x2980, s31;
	[sflag:s24] =	ssyncadd.s32 $0xFFFFF000  }
0x85: {  	[spmem:s2] =	stream.indirect.scatter.add.f32 [tilespmem:s28], [sflag:$0x2], $0x20, s30, s22, $0xb8;
	[tilespmem:$0xE800] =	vst v63  }
0x86: {  	_ =	swait.ge [sflag:s20], $0x1000  }
0x87: {  	s30 =	smov.u32 s1;
	[sflag:s20] =	ssyncset.done $0x0  }
0x88: {  	s1 =	sshra.s32 s29, $0x2;
	[sflag:s20] =	ssyncadd.s32 $0xFFFFF000  }
0x89: {  	[tilespmem:s23], [sflag:$0x1] =	stream.indirect.gather [hbm4b:s4+s22], $0x20, s1, s22, $0xb8;
	[tilespmem:$0xE800] =	vst v63  }
0x8a: {  	_ =	swait.ge [sflag:s24], $0x1000  }
0x8b: {  	[sflag:s24] =	ssyncset.done $0x0  }
0x8c: {  	s29 =	sadd.s32 $0x2800, s1;
	[sflag:s24] =	ssyncadd.s32 $0xFFFFF000  }
0x8d: {  	[spmem:s2] =	stream.indirect.scatter.add.f32 [tilespmem:s23], [sflag:$0x2], $0x20, s29, s22, $0xb8;
	[tilespmem:$0xE800] =	vst v63  }
0x8e: {  	_ =	swait.ge [sflag:s20], $0x1000  }
0x8f: {  	[sflag:s20] =	ssyncset.done $0x0  }
0x90: {  	s31 =	sadd.s32 $0x80, s1;
	[sflag:s20] =	ssyncadd.s32 $0xFFFFF000  }
0x91: {  	[tilespmem:s25], [sflag:$0x1] =	stream.indirect.gather [hbm4b:s4+s22], $0x20, s31, s22, $0xb8;
	[tilespmem:$0xE800] =	vst v63  }
0x92: {  	_ =	swait.ge [sflag:s24], $0x1000  }
0x93: {  	[sflag:s24] =	ssyncset.done $0x0  }
0x94: {  	s30 =	sadd.s32 $0x2880, s1;
	[sflag:s24] =	ssyncadd.s32 $0xFFFFF000  }
0x95: {  	[spmem:s2] =	stream.indirect.scatter.add.f32 [tilespmem:s25], [sflag:$0x2], $0x20, s30, s22, $0xb8;
	[tilespmem:$0xE800] =	vst v63  }
0x96: {  	_ =	swait.ge [sflag:s20], $0x1000  }
0x97: {  	[sflag:s20] =	ssyncset.done $0x0  }
0x98: {  	s31 =	sadd.s32 $0x100, s1;
	[sflag:s20] =	ssyncadd.s32 $0xFFFFF000  }
0x99: {  	[tilespmem:s26], [sflag:$0x1] =	stream.indirect.gather [hbm4b:s4+s22], $0x20, s31, s22, $0xb8;
	[tilespmem:$0xE800] =	vst v63  }
0x9a: {  	_ =	swait.ge [sflag:s24], $0x1000  }
0x9b: {  	[sflag:s24] =	ssyncset.done $0x0  }
0x9c: {  	s30 =	sadd.s32 $0x2900, s1;
	[sflag:s24] =	ssyncadd.s32 $0xFFFFF000  }
0x9d: {  	[spmem:s2] =	stream.indirect.scatter.add.f32 [tilespmem:s26], [sflag:$0x2], $0x20, s30, s22, $0xb8;
	[tilespmem:$0xE800] =	vst v63  }
0x9e: {  	_ =	swait.ge [sflag:s20], $0x1000  }
0x9f: {  	[sflag:s20] =	ssyncset.done $0x0  }
0xa0: {  	s31 =	sadd.s32 $0x180, s1;
	[sflag:s20] =	ssyncadd.s32 $0xFFFFF000  }
0xa1: {  	[tilespmem:s28], [sflag:$0x1] =	stream.indirect.gather [hbm4b:s4+s22], $0x20, s31, s22, $0xb8;
	[tilespmem:$0xE800] =	vst v63  }
0xa2: {  	_ =	swait.ge [sflag:s24], $0x1000  }
0xa3: {  	[sflag:s24] =	ssyncset.done $0x0  }
0xa4: {  	s1 =	sadd.s32 $0x2980, s1;
	[sflag:s24] =	ssyncadd.s32 $0xFFFFF000  }
0xa5: {  	[spmem:s2] =	stream.indirect.scatter.add.f32 [tilespmem:s28], [sflag:$0x2], $0x20, s1, s22, $0xb8;
	[tilespmem:$0xE800] =	vst v63  }
0xa6: {  	s3 =	sadd.s32 $0x1, s3;
	_ =	swait.ge [sflag:s20], $0x1000  }
0xa7: {  	p0 =	sne.s32 s3, s9;
	[sflag:s20] =	ssyncset.done $0x0  }
0xa8: {  	s30 =	sshll.u32 s0, $0x6;
	s31 =	sshrl.u32 s5, $0x3;
	[sflag:s20] =	ssyncadd.s32 $0xFFFFF000  }
.Ltmp2:
0xa9: {  	s1 =	sor.u32 $0x1C02, s30;
	[bflag:$0x0] =	sbarrier.arrive $0xFFFF;
	(pc) =	sbr.rel @p0 .LBB2_1-.Ltmp2, $4  }
0xaa: {  	[hbm:s8], [sflag:s1] =	dma.local [spmem:s31], $0xA00  }
0xab: {  	_ =	swait.ge [sflag:s20], $0xA00  }
0xac: {  	[sflag:s20] =	ssyncset.done $0x0  }
0xad: {  	[sflag:s20] =	ssyncadd.s32 $0xFFFFF600  }
0xae: {  	_ =	sfence.sel $0x180000  }
0xaf: {  	[bflag:$0x0] =	sbarrier.arrive $0xFFFF  }
0xb0: {  	_ =	strace $0x9000004A  }
0xb1: {  	[bflag:$0x2] =	sbarrier.arrive $0xFFFF  }
0xb2: {  	p0 =	sne.s32 s0, $0x0;
	s0 =	rddreg [dreg:$0x2]  }
0xb3: {  	s0 =	sadd.s32 @!p0 $0x100000, s0  }
0xb4: {  	[sflag:s0] =	ssyncadd.tile.s32 @!p0 $0x1;
	_ =	shalt  }
.Lfunc_end2:
_tile_overlayer_lowered:
.L_overlay_start_2:
0xb5: {  	(tag) =	ssettag $0x2  }
0xb6: {  	s0 =	rddreg [dreg:$0x0];
	s2 =	stileid.u32  }
0xb7: {  	s1 =	rddreg [dreg:$0x1];
	p0 =	sne.s32 s2, $0x0  }
0xb8: {  	s3 =	rddreg [dreg:$0x2];
	[bflag:$0x3] =	sbarrier.arrive $0xFFFF;
	s2 =	simm.s32 @!p0 $0x1C02  }
0xb9: {  	[timem:s3], [sflag:s2] =	dma.local @!p0 [hbm:s0], s1  }
0xba: {  	s0 =	simm.s32 @!p0 $0x2  }
0xbb: {  	_ =	swait.ge @!p0 [sflag:s0], s1  }
0xbc: {  	s1 =	ssub.s32 @!p0 $0x0, s1;
	[sflag:s0] =	ssyncset.done @!p0 $0x0  }
0xbd: {  	[sflag:s0] =	ssyncadd.s32 @!p0 s1  }
0xbe: {  	[bflag:$0x3] =	sbarrier.arrive $0xFFFF  }
0xbf: {  	_ =	shalt  }

// kernel: kernel.8.cloned.1.call-start
scs
__scs_entry_jumppad:
0x0: {  	(pc) =	sbr.rel $0x88, $3  }
0x1: {  	(tag) =	ssettag $0x0;
	lr =	simm.s32 $0x1  }
0x2: {  	[smem:$0x3F99] =	sst lr;
	_ =	strace $0xD0000000  }
0x3: {  	_ = 	snop  }
0x4: {  	_ = 	snop  }
0x5: {  	_ = 	snop  }
0x6: {  	_ = 	snop  }
0x7: {  	_ = 	snop  }
__scs_overlays_trampoline_lowered:
0x8: {  	[smem:$0x3FA8] =	sst s0  }
0x9: {  	[smem:$0x3FA9] =	sst s1  }
0xa: {  	[smem:$0x3FAA] =	sst s2  }
0xb: {  	[smem:$0x3FAB] =	sst s3  }
0xc: {  	[smem:$0x3FAC] =	sst s4  }
0xd: {  	[smem:$0x3FAD] =	sst s5  }
0xe: {  	[smem:$0x3FAE] =	sst s6  }
0xf: {  	[smem:$0x3FAF] =	sst s7  }
0x10: {  	[smem:$0x3FB0] =	sst s8  }
0x11: {  	[smem:$0x3FB1] =	sst s9;
	s0 =	simm.s32 @!p0 $0x0  }
0x12: {  	s1 =	sld [smem:$0x3F97];
	s0 =	simm.s32 @p0 $0x1  }
0x13: {  	[smem:$0x3FB2] =	sst s0;
	s0 =	simm.s32 @!p1 $0x0  }
0x14: {  	s2 =	sld [smem:$0x3F96];
	s0 =	simm.s32 @p1 $0x1  }
0x15: {  	[smem:$0x3FB3] =	sst s0;
	s0 =	simm.s32 @!p2 $0x0  }
0x16: {  	s3 =	sld [smem:$0x3FDB];
	s0 =	simm.s32 @p2 $0x1  }
0x17: {  	s4 =	simm.s32 $0x1BF5;
	[smem:$0x3FB5] =	sst s0  }
0x18: {  	s0 =	sld [smem:$0x3F98];
	_ =	swait.ge [sflag:s4], $0x0  }
0x19: {  	s7 =	sld [smem:$0x3F99]  }
0x1a: {  	s8 =	sadd.s32 $0xFFFFE003, lr  }
0x1b: {  	s9 =	sadd.s32 $0xFFFFFEF7, lr;
	s5 =	simm.s32 $0xFFFFFFFF;
	p2 =	slt.u32 s8, $0xFFFFF086  }
0x1c: {  	p1 =	slt.u32 s9, $0xF7A;
	s5 =	simm.s32 @!p2 $0x0  }
0x1d: {  	s5 =	simm.s32 @p1 $0x1;
	p0 =	seq.s32 s7, s2  }
0x1e: {  	s7 =	smul.u32 @!p0 $0xF7A, s2;
	p2 =	seq.s32 @!p0 s5, $0x0  }
0x1f: {  	s9 =	smul.u32 $0xF7A, s1;
	s8 =	simm.s32 @!p0 $0x1BF5;
	p2 =	por !p2, p0  }
0x20: {  	[sflag:s8] =	ssyncset.s32 @!p0 $0xFFFFF086;
	s6 =	sadd.s32 @!p0 s3, s7;
	s7 =	simm.s32 @!p0 $0x108  }
0x21: {  	s3 =	sadd.s32 s3, s9;
	s6 =	sadd.s32 @!p0 $0x88, s6;
	s7 =	simm.s32 @p2 $0x1082  }
0x22: {  	[simem:s7], [sflag:s8] =	dma.local @!p0 [hbm:s6], $0xF7A  }
0x23: {  	s9 =	sor.u32 $0xD0000000, s2;
	s6 =	simm.s32 $0x108;
	_ =	swait.ge @!p0 [sflag:s8], $0x0  }
0x24: {  	s3 =	sadd.s32 $0x88, s3;
	s6 =	simm.s32 @!p1 $0x1082;
	[sflag:s4] =	ssyncset.s32 $0xFFFFF086  }
0x25: {  	[simem:s6], [sflag:s4] =	dma.local [hbm:s3], $0xF7A  }
0x26: {  	[smem:$0x3F99] =	sst s1;
	(tag) =	ssettag s2;
	_ =	strace s9  }
0x27: {  	s1 =	sld [smem:$0x3FA9]  }
0x28: {  	s2 =	sld [smem:$0x3FAA]  }
0x29: {  	s4 =	sld [smem:$0x3FAC]  }
0x2a: {  	p0 =	seq.s32 s5, $0x0;
	s5 =	sld [smem:$0x3FAD]  }
0x2b: {  	s6 =	sld [smem:$0x3FAE]  }
0x2c: {  	s7 =	sld [smem:$0x3FAF]  }
0x2d: {  	s3 =	simm.s32 $0x108;
	s8 =	sld [smem:$0x3FB0]  }
0x2e: {  	s3 =	simm.s32 @!p0 $0x1082;
	s9 =	sld [smem:$0x3FB1]  }
0x2f: {  	lr =	sadd.s32 s0, s3;
	s0 =	sld [smem:$0x3FA8]  }
0x30: {  	s3 =	sld [smem:$0x3FAB]  }
0x31: {  	[smem:$0x3FB4] =	sst s10  }
0x32: {  	s10 =	sld [smem:$0x3FB2];
	_ =	sdelay $0x3  }
0x33: {  	p0 =	seq.s32 s10, $0x1;
	s10 =	sld [smem:$0x3FB4];
	_ =	sdelay $0x3  }
0x34: {  	[smem:$0x3FB4] =	sst s10  }
0x35: {  	s10 =	sld [smem:$0x3FB3];
	_ =	sdelay $0x3  }
0x36: {  	p1 =	seq.s32 s10, $0x1;
	s10 =	sld [smem:$0x3FB4];
	_ =	sdelay $0x3  }
0x37: {  	[smem:$0x3FB4] =	sst s10  }
0x38: {  	s10 =	sld [smem:$0x3FB5]  }
0x39: {  	_ = 	snop;
	(pc) =	sbr.ind lr, $3  }
0x3a: {  	_ = 	snop  }
0x3b: {  	_ = 	snop  }
0x3c: {  	p2 =	seq.s32 s10, $0x1;
	s10 =	sld [smem:$0x3FB4]  }
0x3d: {  	_ =	shalt  }
0x3e: {  	_ =	shalt  }
0x3f: {  	_ =	shalt  }
0x40: {  	_ =	shalt  }
0x41: {  	_ =	shalt  }
0x42: {  	_ =	shalt  }
0x43: {  	_ =	shalt  }
0x44: {  	_ =	shalt  }
0x45: {  	_ =	shalt  }
0x46: {  	_ =	shalt  }
0x47: {  	_ =	shalt  }
0x48: {  	_ =	shalt  }
0x49: {  	_ =	shalt  }
0x4a: {  	_ =	shalt  }
0x4b: {  	_ =	shalt  }
0x4c: {  	_ =	shalt  }
0x4d: {  	_ =	shalt  }
0x4e: {  	_ =	shalt  }
0x4f: {  	_ =	shalt  }
0x50: {  	_ =	shalt  }
0x51: {  	_ =	shalt  }
0x52: {  	_ =	shalt  }
0x53: {  	_ =	shalt  }
0x54: {  	_ =	shalt  }
0x55: {  	_ =	shalt  }
0x56: {  	_ =	shalt  }
0x57: {  	_ =	shalt  }
0x58: {  	_ =	shalt  }
0x59: {  	_ =	shalt  }
0x5a: {  	_ =	shalt  }
0x5b: {  	_ =	shalt  }
0x5c: {  	_ =	shalt  }
0x5d: {  	_ =	shalt  }
0x5e: {  	_ =	shalt  }
0x5f: {  	_ =	shalt  }
0x60: {  	_ =	shalt  }
0x61: {  	_ =	shalt  }
0x62: {  	_ =	shalt  }
0x63: {  	_ =	shalt  }
0x64: {  	_ =	shalt  }
0x65: {  	_ =	shalt  }
0x66: {  	_ =	shalt  }
0x67: {  	_ =	shalt  }
0x68: {  	_ =	shalt  }
0x69: {  	_ =	shalt  }
0x6a: {  	_ =	shalt  }
0x6b: {  	_ =	shalt  }
0x6c: {  	_ =	shalt  }
0x6d: {  	_ =	shalt  }
0x6e: {  	_ =	shalt  }
0x6f: {  	_ =	shalt  }
0x70: {  	_ =	shalt  }
0x71: {  	_ =	shalt  }
0x72: {  	_ =	shalt  }
0x73: {  	_ =	shalt  }
0x74: {  	_ =	shalt  }
0x75: {  	_ =	shalt  }
0x76: {  	_ =	shalt  }
0x77: {  	_ =	shalt  }
0x78: {  	_ =	shalt  }
0x79: {  	_ =	shalt  }
0x7a: {  	_ =	shalt  }
0x7b: {  	_ =	shalt  }
0x7c: {  	_ =	shalt  }
0x7d: {  	_ =	shalt  }
0x7e: {  	_ =	shalt  }
0x7f: {  	_ =	shalt  }
0x80: {  	_ =	shalt  }
0x81: {  	_ =	shalt  }
0x82: {  	_ =	shalt  }
0x83: {  	_ =	shalt  }
0x84: {  	_ =	shalt  }
0x85: {  	_ =	shalt  }
0x86: {  	_ =	shalt  }
0x87: {  	_ =	shalt  }
.Lfunc_end0:
.L_simem_size_0:
called_computation_lowered:
.L_overlay_start_0:
0x88: {  	s2 =	sld [smem:$0x3FD9]  }
0x89: {  	s3 =	sld [smem:$0x3FFE];
	_ =	sdelay $0x1  }
0x8a: {  	s1 =	srdreg.scid  }
0x8b: {  	s0 =	sand.u32 $0x1, s1  }
0x8c: {  	s17 =	sshll.u32 s0, $0xA;
	s2 =	sadd.s32 s3, s2  }
0x8d: {  	s2 =	sadd.s32 s2, s17  }
0x8e: {  	[smem:$0x3FC0] =	sst s2  }
0x8f: {  	_ = 	snop  }
0x90: {  	s2 =	sld [smem:$0x3FD0];
	(tm) =	ssettm $0x1  }
0x91: {  	s18 =	sld [smem:$0x3FFB];
	_ =	sdelay $0x3  }
0x92: {  	_ =	strace s18  }
0x93: {  	s3 =	sld [smem:$0x3FFC];
	_ =	sdelay $0x3  }
0x94: {  	_ =	strace s3  }
0x95: {  	s3 =	sld [smem:$0x3FFD];
	_ =	sdelay $0x3  }
0x96: {  	_ =	strace s3  }
0x97: {  	_ =	strace $0x8FFFFFFF  }
0x98: {  	s19 =	sld [smem:$0x3FDB];
	_ =	sdelay $0x1  }
0x99: {  	s4 =	simm.s32 $_scs_section_size  }
0x9a: {  	s5 =	simm.s32 $_size__tile_overlayer_lowered;
	s6 =	simm.s32 $_tile_overlayer_lowered  }
0x9b: {  	s22 =	simm.s32 $0x1BFF;
	s21 =	sshll.u32 s6, $0x1;
	s3 =	sadd.s32 s4, s19  }
0x9c: {  	s7 =	simm.s32 $0x0;
	s20 =	sshll.u32 s5, $0x1;
	s5 =	sadd.s32 s21, s3  }
0x9d: {  	[timem:s7], [sflag:s22] =	dma.local [hbm:s5], s20  }
0x9e: {  	_ =	swait.ge [sflag:s22], s20  }
0x9f: {  	s4 =	ssub.s32 $0x0, s20;
	[sflag:s22] =	ssyncset.done $0x0  }
0xa0: {  	[sflag:s22] =	ssyncadd.s32 s4;
	_ =	sdelay $0x1  }
0xa1: {  	s23 =	simm.s32 $0x1B8B  }
0xa2: {  	_ =	swait.ge [sflag:s23], $0x1  }
0xa3: {  	[sflag:s23] =	ssyncset.done $0x0  }
0xa4: {  	s25 =	simm.s32 $0x1B8E;
	s24 =	sld [smem:$0x3FFE];
	[sflag:s23] =	ssyncadd.s32 $0xFFFFFFFF  }
0xa5: {  	s26 =	simm.s32 $execute0_lowered;
	[smem:$0x3FD2] =	sst s25  }
0xa6: {  	s5 =	sshll.u32 s26, $0x1;
	_ =	strace $0x80000046;
	[dreg:$0x1] =	wrdreg $0xFFFFFFFF  }
0xa7: {  	s28 =	simm.s32 $_size_execute0_lowered;
	s3 =	sadd.s32 s3, s5;
	[dreg:$0x0] =	wrdreg $0x0  }
0xa8: {  	s5 =	sshll.u32 s28, $0x1;
	[dreg:$0x2] =	wrdreg s3  }
0xa9: {  	[dreg:$0x3] =	wrdreg s5  }
0xaa: {  	[dreg:$0x4] =	wrdreg $0xC0  }
0xab: {  	_ =	task [dreg:s7], $0x5FFFF  }
0xac: {  	[dreg:$0x1] =	wrdreg $0xFFFFFFFF  }
0xad: {  	[dreg:$0x0] =	wrdreg $0x60  }
0xae: {  	[dreg:$0x2] =	wrdreg s24  }
0xaf: {  	[dreg:$0x3] =	wrdreg s2  }
0xb0: {  	[dreg:$0x4] =	wrdreg $0xE0000  }
0xb1: {  	[dreg:$0x5] =	wrdreg $0x183000  }
0xb2: {  	[dreg:$0x6] =	wrdreg $0x9  }
0xb3: {  	_ =	task.clear_ibuf [dreg:s7], $0x7FFFF;
	_ =	strace $0x90000046  }
0xb4: {  	s29 =	simm.s32 $0x9;
	_ =	strace $0x80000048  }
0xb5: {  	_ =	swait.ge [sflag:s29], $0x1  }
0xb6: {  	[sflag:s29] =	ssyncadd.s32 $0xFFFFFFFF  }
0xb7: {  	_ =	strace $0x90000048  }
0xb8: {  	_ =	sfence  }
0xb9: {  	s30 =	sld [smem:$0x0];
	_ =	sdelay $0x2  }
0xba: {  	s31 =	sshll.u32 s1, $0xD;
	s1 =	sshrl.u32 s1, $0x2  }
0xbb: {  	s3 =	sand.u32 $0x4000, s31;
	s1 =	sadd.s32 s1, s30  }
0xbc: {  	s0 =	sor.u32 s3, s0;
	s1 =	sshll.u32 s1, $0x11  }
0xbd: {  	s0 =	sor.u32 s1, s0  }
0xbe: {  	s0 =	sadd.s32 $0x8F2B, s0  }
0xbf: {  	[sflag:s0] =	ssyncadd.remote.s32 $0x1  }
0xc0: {  	_ =	sfence.sel $0xFFFF  }
0xc1: {  	[dreg:$0x0] =	wrdreg $0xFFFFFFFF;
	(pc) =	sbr.abs _section_cstart, $3  }
0xc2: {  	[dreg:$0x1] =	wrdreg $0xFFFFFFFF  }
0xc3: {  	_ =	task.clear_ibuf [dreg:s7], $0x2FFFF;
	_ =	strace $0x9FFFFFFF  }
0xc4: {  	(tm) =	ssettm $0x7FFFFFFF  }
0xc5: {  	_ =	shalt  }
tec
execute0_lowered:
.L_overlay_start_1:
0x0: {  	(tag) =	ssettag $0x1  }
0x1: {  	s1 =	rddreg [dreg:$0x0]  }
0x2: {  	s0 =	srdreg.scid;
	s8 =	rddreg [dreg:$0x1]  }
0x3: {  	s10 =	stileid.u32;
	s2 =	rddreg [dreg:$0x2]  }
0x4: {  	s22 =	simm.s32 $0xD000;
	s23 =	simm.s32 $0x2;
	s28 =	simm.s32 $0x5000  }
0x5: {  	s29 =	simm.s32 $0x1;
	s30 =	simm.s32 $0x18280;
	s31 =	simm.s32 $0x7000  }
0x6: {  	s0 =	sand.u32 $0x1, s0;
	s7 =	smul.u32 $0x280, s10;
	s5 =	sadd.s32 $0x29E00, s1  }
0x7: {  	s3 =	sshll.u32 s0, $0x4;
	s9 =	smul.u32 $0x2800, s0;
	s0 =	ssub.s32 $0x2, s0  }
0x8: {  	s4 =	sor.u32 s10, s3;
	s3 =	rddreg [dreg:$0x3];
	s10 =	smul.u32 $0x28000, s10  }
0x9: {  	s12 =	sshrl.u32 s0, $0x1;
	s6 =	smul.u32 $0x500, s4;
	s4 =	simm.s32 $0x0  }
0xa: {  	s9 =	sadd.s32 s7, s9;
	s0 =	ssub.s32 s0, s12;
	s7 =	sadd.s32 s7, s3  }
0xb: {  	[smem:$0x7FF] =	sst s4;
	s24 =	sshll.u32 s9, $0x3;
	s10 =	sshrl.u32 s10, $0x2  }
0xc: {  	s9 =	sshrl.u32 s9, $0x3;
	s12 =	smax.u32 s0, $0x1;
	_ =	strace $0x80000047  }
0xd: {  	s11 =	sadd.s32 s6, s1;
	s1 =	sadd.s32 s24, s1;
	s6 =	sadd.s32 s10, s2  }
0xe: {  	s24 =	simm.s32 $0xB000;
	s25 =	sadd.s32 $0x3DE00, s11;
	s26 =	sadd.s32 $0x47E00, s11  }
0xf: {  	s10 =	sadd.s32 $0x51E00, s1;
	s11 =	sadd.s32 s8, s9;
	s13 =	sadd.s32 $0x1000, s6  }
0x10: {  	s14 =	sadd.s32 $0x2000, s6;
	s15 =	sadd.s32 $0x3000, s6;
	s16 =	sadd.s32 $0x4000, s6  }
0x11: {  	s17 =	sadd.s32 $0x5000, s6;
	s18 =	sadd.s32 $0x6000, s6;
	s19 =	sadd.s32 $0x7000, s6  }
0x12: {  	s20 =	sadd.s32 $0x8000, s6;
	s21 =	sadd.s32 $0x9000, s6;
	[dreg:$0x5] =	wrdreg s25  }
0x13: {  	v0 =	vimm.f32 $0.0e+00;
	v1 =	vimm.f32 $1.000000000e+00;
	s1 =	simm.s32 $0x9000;
	[dreg:$0x6] =	wrdreg s26;
	s26 =	simm.s32 $0x80  }
.LBB2_1:
0x14: {  	s8 =	simm.s32 $0x100;
	s0 =	simm.s32 $0x0  }
.LBB2_2:
0x15: {  	p0 =	sne.s32 s8, $0x3F00;
	[tilespmem:s0+$0xD030] =	vst v0;
	s9 =	smov.u32 s8;
	s8 =	sadd.s32 $0x100, s8  }
.Ltmp0:
0x16: {  	[tilespmem:s0+$0xD020] =	vst v0;
	(pc) =	sbr.rel @p0 .LBB2_2-.Ltmp0, $3  }
0x17: {  	[tilespmem:s0+$0xD000] =	vst v0  }
0x18: {  	[tilespmem:s0+$0xD010] =	vst v0;
	_ =	sdelay $0x1  }
0x19: {  	s0 =	sshra.s32 s9, $0x2  }
0x1a: {  	[tilespmem:s0+$0xD030] =	vst v0  }
0x1b: {  	[tilespmem:s0+$0xD020] =	vst v0  }
0x1c: {  	[tilespmem:s0+$0xD000] =	vst v0  }
0x1d: {  	[tilespmem:s0+$0xD010] =	vst v0  }
0x1e: {  	[spmem:s6] =	stream.linear.scatter [tilespmem:s22], [sflag:$0x2], $0x1000, $0x38;
	[tilespmem:$0x18580] =	vst v63  }
0x1f: {  	_ =	swait.ge [sflag:s23], $0x1000  }
0x20: {  	[sflag:s23] =	ssyncset.done $0x0  }
0x21: {  	[sflag:s23] =	ssyncadd.s32 $0xFFFFF000  }
0x22: {  	[spmem:s13] =	stream.linear.scatter [tilespmem:s22], [sflag:$0x2], $0x1000, $0x38;
	[tilespmem:$0x18580] =	vst v63  }
0x23: {  	_ =	swait.ge [sflag:s23], $0x1000  }
0x24: {  	[sflag:s23] =	ssyncset.done $0x0  }
0x25: {  	[sflag:s23] =	ssyncadd.s32 $0xFFFFF000  }
0x26: {  	[spmem:s14] =	stream.linear.scatter [tilespmem:s22], [sflag:$0x2], $0x1000, $0x38;
	[tilespmem:$0x18580] =	vst v63  }
0x27: {  	_ =	swait.ge [sflag:s23], $0x1000  }
0x28: {  	[sflag:s23] =	ssyncset.done $0x0  }
0x29: {  	[sflag:s23] =	ssyncadd.s32 $0xFFFFF000  }
0x2a: {  	[spmem:s15] =	stream.linear.scatter [tilespmem:s22], [sflag:$0x2], $0x1000, $0x38;
	[tilespmem:$0x18580] =	vst v63  }
0x2b: {  	_ =	swait.ge [sflag:s23], $0x1000  }
0x2c: {  	[sflag:s23] =	ssyncset.done $0x0  }
0x2d: {  	[sflag:s23] =	ssyncadd.s32 $0xFFFFF000  }
0x2e: {  	[spmem:s16] =	stream.linear.scatter [tilespmem:s22], [sflag:$0x2], $0x1000, $0x38;
	[tilespmem:$0x18580] =	vst v63  }
0x2f: {  	_ =	swait.ge [sflag:s23], $0x1000  }
0x30: {  	[sflag:s23] =	ssyncset.done $0x0  }
0x31: {  	[sflag:s23] =	ssyncadd.s32 $0xFFFFF000  }
0x32: {  	[spmem:s17] =	stream.linear.scatter [tilespmem:s22], [sflag:$0x2], $0x1000, $0x38;
	[tilespmem:$0x18580] =	vst v63  }
0x33: {  	_ =	swait.ge [sflag:s23], $0x1000  }
0x34: {  	[sflag:s23] =	ssyncset.done $0x0  }
0x35: {  	[sflag:s23] =	ssyncadd.s32 $0xFFFFF000  }
0x36: {  	[spmem:s18] =	stream.linear.scatter [tilespmem:s22], [sflag:$0x2], $0x1000, $0x38;
	[tilespmem:$0x18580] =	vst v63  }
0x37: {  	_ =	swait.ge [sflag:s23], $0x1000  }
0x38: {  	[sflag:s23] =	ssyncset.done $0x0  }
0x39: {  	[sflag:s23] =	ssyncadd.s32 $0xFFFFF000  }
0x3a: {  	[spmem:s19] =	stream.linear.scatter [tilespmem:s22], [sflag:$0x2], $0x1000, $0x38;
	[tilespmem:$0x18580] =	vst v63  }
0x3b: {  	_ =	swait.ge [sflag:s23], $0x1000  }
0x3c: {  	[sflag:s23] =	ssyncset.done $0x0  }
0x3d: {  	[sflag:s23] =	ssyncadd.s32 $0xFFFFF000  }
0x3e: {  	[spmem:s20] =	stream.linear.scatter [tilespmem:s22], [sflag:$0x2], $0x1000, $0x38;
	[tilespmem:$0x18580] =	vst v63  }
0x3f: {  	_ =	swait.ge [sflag:s23], $0x1000  }
0x40: {  	[sflag:s23] =	ssyncset.done $0x0  }
0x41: {  	[sflag:s23] =	ssyncadd.s32 $0xFFFFF000  }
0x42: {  	[spmem:s21] =	stream.linear.scatter [tilespmem:s22], [sflag:$0x2], $0x1000, $0x38;
	[tilespmem:$0x18580] =	vst v63  }
0x43: {  	_ =	swait.ge [sflag:s23], $0x1000  }
0x44: {  	[sflag:s23] =	ssyncset.done $0x0  }
0x45: {  	[sflag:s23] =	ssyncadd.s32 $0xFFFFF000  }
0x46: {  	[tilespmem:$0x18000] =	vst v0  }
0x47: {  	[tilespmem:$0x18010] =	vst v0  }
0x48: {  	[tilespmem:$0x18020] =	vst v0  }
0x49: {  	[tilespmem:$0x18030] =	vst v0  }
0x4a: {  	[tilespmem:$0x18040] =	vst v0  }
0x4b: {  	[tilespmem:$0x18050] =	vst v0  }
0x4c: {  	[tilespmem:$0x18060] =	vst v0  }
0x4d: {  	[tilespmem:$0x18070] =	vst v0  }
0x4e: {  	[tilespmem:$0x18080] =	vst v0  }
0x4f: {  	[tilespmem:$0x18090] =	vst v0  }
0x50: {  	[tilespmem:$0x180A0] =	vst v0  }
0x51: {  	[tilespmem:$0x180B0] =	vst v0  }
0x52: {  	[tilespmem:$0x180C0] =	vst v0  }
0x53: {  	[tilespmem:$0x180D0] =	vst v0  }
0x54: {  	[tilespmem:$0x180E0] =	vst v0  }
0x55: {  	[tilespmem:$0x180F0] =	vst v0  }
0x56: {  	[tilespmem:$0x18100] =	vst v0  }
0x57: {  	[tilespmem:$0x18110] =	vst v0  }
0x58: {  	[tilespmem:$0x18120] =	vst v0  }
0x59: {  	[tilespmem:$0x18130] =	vst v0  }
0x5a: {  	[tilespmem:$0x18140] =	vst v0  }
0x5b: {  	[tilespmem:$0x18150] =	vst v0  }
0x5c: {  	[tilespmem:$0x18160] =	vst v0  }
0x5d: {  	[tilespmem:$0x18170] =	vst v0  }
0x5e: {  	[tilespmem:$0x18180] =	vst v0  }
0x5f: {  	[tilespmem:$0x18190] =	vst v0  }
0x60: {  	[tilespmem:$0x181A0] =	vst v0  }
0x61: {  	[tilespmem:$0x181B0] =	vst v0  }
0x62: {  	[tilespmem:$0x181C0] =	vst v0  }
0x63: {  	[tilespmem:$0x181D0] =	vst v0  }
0x64: {  	[tilespmem:$0x181E0] =	vst v0  }
0x65: {  	[tilespmem:$0x181F0] =	vst v0  }
0x66: {  	[tilespmem:$0x18200] =	vst v0  }
0x67: {  	[tilespmem:$0x18210] =	vst v0  }
0x68: {  	[tilespmem:$0x18220] =	vst v0  }
0x69: {  	[tilespmem:$0x18230] =	vst v0  }
0x6a: {  	[tilespmem:$0x18240] =	vst v0  }
0x6b: {  	[tilespmem:$0x18250] =	vst v0  }
0x6c: {  	[tilespmem:$0x18260] =	vst v0  }
0x6d: {  	s9 =	simm.s32 $0x18000;
	[tilespmem:$0x18270] =	vst v0  }
0x6e: {  	[spmem:s7] =	stream.linear.scatter [tilespmem:s9], [sflag:$0x2], $0x280, $0x38;
	[tilespmem:$0x18580] =	vst v63  }
0x6f: {  	_ =	swait.ge [sflag:s23], $0x280  }
0x70: {  	[sflag:s23] =	ssyncset.done $0x0  }
0x71: {  	[sflag:s23] =	ssyncadd.s32 $0xFFFFFD80  }
0x72: {  	[tilespmem:$0x18280] =	vst v1  }
0x73: {  	[tilespmem:$0x18290] =	vst v1  }
0x74: {  	[tilespmem:$0x182A0] =	vst v1  }
0x75: {  	[tilespmem:$0x182B0] =	vst v1  }
0x76: {  	[tilespmem:$0x182C0] =	vst v1  }
0x77: {  	[tilespmem:$0x182D0] =	vst v1  }
0x78: {  	[tilespmem:$0x182E0] =	vst v1  }
0x79: {  	[tilespmem:$0x182F0] =	vst v1  }
0x7a: {  	[bflag:$0x0] =	sbarrier.arrive $0xFFFF  }
0x7b: {  	s0 =	simm.s32 $0x0;
	s8 =	rddreg [dreg:$0x5]  }
0x7c: {  	[tilespmem:s0], [sflag:$0x2] =	stream.linear.gather [hbm4b:s8+s0], $0x2800, $0x38;
	[tilespmem:$0x18580] =	vst v63  }
0x7d: {  	_ =	swait.ge [sflag:s23], $0x2800  }
0x7e: {  	[sflag:s23] =	ssyncset.done $0x0  }
0x7f: {  	s9 =	simm.s32 $0x2800;
	s25 =	rddreg [dreg:$0x6];
	[sflag:s23] =	ssyncadd.s32 $0xFFFFD800  }
0x80: {  	[tilespmem:s9], [sflag:$0x2] =	stream.linear.gather [hbm4b:s25+s0], $0x2800, $0x38;
	[tilespmem:$0x18580] =	vst v63  }
0x81: {  	_ =	swait.ge [sflag:s23], $0x2800  }
0x82: {  	[sflag:s23] =	ssyncset.done $0x0  }
0x83: {  	s9 =	simm.s32 $0x0;
	[sflag:s23] =	ssyncadd.s32 $0xFFFFD800  }
0x84: {  	[tilespmem:s28], [sflag:$0x1] =	stream.indirect.gather [hbm4b:s5+s26], $0x40, s9, s26, $0xb8;
	[tilespmem:$0x18580] =	vst v63  }
0x85: {  	_ =	swait.ge [sflag:s29], $0x2000  }
0x86: {  	[sflag:s29] =	ssyncset.done $0x0  }
0x87: {  	s25 =	simm.s32 $0x2800;
	[sflag:s29] =	ssyncadd.s32 $0xFFFFE000  }
0x88: {  	[spmem:s2] =	stream.indirect.scatter.add.f32 [tilespmem:s28], [sflag:$0x2], $0x40, s25, s26, $0xb8;
	[tilespmem:$0x18580] =	vst v63  }
0x89: {  	_ =	swait.ge [sflag:s23], $0x2000  }
0x8a: {  	[sflag:s23] =	ssyncset.done $0x0  }
0x8b: {  	[sflag:s23] =	ssyncadd.s32 $0xFFFFE000  }
0x8c: {  	[spmem:s3] =	stream.indirect.scatter.add.f32 [tilespmem:s30], [sflag:$0x2], $0x1, s25, s26, $0xb8;
	[tilespmem:$0x18580] =	vst v63  }
0x8d: {  	_ =	swait.ge [sflag:s23], $0x80  }
0x8e: {  	[sflag:s23] =	ssyncset.done $0x0  }
0x8f: {  	s8 =	simm.s32 $0x80;
	[sflag:s23] =	ssyncadd.s32 $0xFFFFFF80  }
0x90: {  	[tilespmem:s31], [sflag:$0x1] =	stream.indirect.gather [hbm4b:s5+s26], $0x40, s8, s26, $0xb8;
	[tilespmem:$0x18580] =	vst v63  }
0x91: {  	_ =	swait.ge [sflag:s29], $0x2000  }
0x92: {  	[sflag:s29] =	ssyncset.done $0x0  }
0x93: {  	s9 =	simm.s32 $0x2880;
	[sflag:s29] =	ssyncadd.s32 $0xFFFFE000  }
0x94: {  	[spmem:s2] =	stream.indirect.scatter.add.f32 [tilespmem:s31], [sflag:$0x2], $0x40, s9, s26, $0xb8;
	[tilespmem:$0x18580] =	vst v63  }
0x95: {  	_ =	swait.ge [sflag:s23], $0x2000  }
0x96: {  	[sflag:s23] =	ssyncset.done $0x0  }
0x97: {  	[sflag:s23] =	ssyncadd.s32 $0xFFFFE000  }
0x98: {  	[spmem:s3] =	stream.indirect.scatter.add.f32 [tilespmem:s30], [sflag:$0x2], $0x1, s9, s26, $0xb8;
	[tilespmem:$0x18580] =	vst v63  }
0x99: {  	_ =	swait.ge [sflag:s23], $0x80  }
0x9a: {  	[sflag:s23] =	ssyncset.done $0x0  }
0x9b: {  	s25 =	simm.s32 $0x100;
	[sflag:s23] =	ssyncadd.s32 $0xFFFFFF80  }
0x9c: {  	[tilespmem:s1], [sflag:$0x1] =	stream.indirect.gather [hbm4b:s5+s26], $0x40, s25, s26, $0xb8;
	[tilespmem:$0x18580] =	vst v63  }
0x9d: {  	_ =	swait.ge [sflag:s29], $0x2000  }
0x9e: {  	[sflag:s29] =	ssyncset.done $0x0  }
0x9f: {  	s8 =	simm.s32 $0x2900;
	[sflag:s29] =	ssyncadd.s32 $0xFFFFE000  }
0xa0: {  	[spmem:s2] =	stream.indirect.scatter.add.f32 [tilespmem:s1], [sflag:$0x2], $0x40, s8, s26, $0xb8;
	[tilespmem:$0x18580] =	vst v63  }
0xa1: {  	_ =	swait.ge [sflag:s23], $0x2000  }
0xa2: {  	[sflag:s23] =	ssyncset.done $0x0  }
0xa3: {  	[sflag:s23] =	ssyncadd.s32 $0xFFFFE000  }
0xa4: {  	[spmem:s3] =	stream.indirect.scatter.add.f32 [tilespmem:s30], [sflag:$0x2], $0x1, s8, s26, $0xb8;
	[tilespmem:$0x18580] =	vst v63  }
0xa5: {  	_ =	swait.ge [sflag:s23], $0x80  }
0xa6: {  	[sflag:s23] =	ssyncset.done $0x0  }
0xa7: {  	s9 =	simm.s32 $0x180;
	[sflag:s23] =	ssyncadd.s32 $0xFFFFFF80  }
0xa8: {  	[tilespmem:s24], [sflag:$0x1] =	stream.indirect.gather [hbm4b:s5+s26], $0x40, s9, s26, $0xb8;
	[tilespmem:$0x18580] =	vst v63  }
0xa9: {  	_ =	swait.ge [sflag:s29], $0x2000  }
0xaa: {  	[sflag:s29] =	ssyncset.done $0x0  }
0xab: {  	s25 =	simm.s32 $0x2980;
	[sflag:s29] =	ssyncadd.s32 $0xFFFFE000  }
0xac: {  	[spmem:s2] =	stream.indirect.scatter.add.f32 [tilespmem:s24], [sflag:$0x2], $0x40, s25, s26, $0xb8;
	[tilespmem:$0x18580] =	vst v63  }
0xad: {  	_ =	swait.ge [sflag:s23], $0x2000  }
0xae: {  	[sflag:s23] =	ssyncset.done $0x0  }
0xaf: {  	[sflag:s23] =	ssyncadd.s32 $0xFFFFE000  }
0xb0: {  	[spmem:s3] =	stream.indirect.scatter.add.f32 [tilespmem:s30], [sflag:$0x2], $0x1, s25, s26, $0xb8;
	[tilespmem:$0x18580] =	vst v63  }
0xb1: {  	_ =	swait.ge [sflag:s23], $0x80  }
0xb2: {  	s0 =	simm.s32 $0x1000;
	s25 =	simm.s32 $0x800;
	[sflag:s23] =	ssyncset.done $0x0  }
.LBB2_4:
0xb3: {  	s8 =	sshra.s32 s25, $0x2  }
0xb4: {  	[sflag:s23] =	ssyncadd.s32 $0xFFFFFF80;
	s25 =	smov.u32 s0;
	s9 =	sadd.s32 $0x800, s0  }
0xb5: {  	[tilespmem:s28], [sflag:$0x1] =	stream.indirect.gather [hbm4b:s5+s26], $0x40, s8, s26, $0xb8;
	[tilespmem:$0x18580] =	vst v63  }
0xb6: {  	p0 =	sne.s32 s0, $0x9800;
	_ =	swait.ge [sflag:s29], $0x2000  }
0xb7: {  	[sflag:s29] =	ssyncset.done $0x0  }
0xb8: {  	s0 =	sadd.s32 $0x2800, s8;
	[sflag:s29] =	ssyncadd.s32 $0xFFFFE000  }
0xb9: {  	[spmem:s2] =	stream.indirect.scatter.add.f32 [tilespmem:s28], [sflag:$0x2], $0x40, s0, s26, $0xb8;
	[tilespmem:$0x18580] =	vst v63  }
0xba: {  	_ =	swait.ge [sflag:s23], $0x2000  }
0xbb: {  	[sflag:s23] =	ssyncset.done $0x0  }
0xbc: {  	[sflag:s23] =	ssyncadd.s32 $0xFFFFE000  }
0xbd: {  	[spmem:s3] =	stream.indirect.scatter.add.f32 [tilespmem:s30], [sflag:$0x2], $0x1, s0, s26, $0xb8;
	[tilespmem:$0x18580] =	vst v63  }
0xbe: {  	_ =	swait.ge [sflag:s23], $0x80  }
0xbf: {  	[sflag:s23] =	ssyncset.done $0x0  }
0xc0: {  	s0 =	sadd.s32 $0x80, s8;
	[sflag:s23] =	ssyncadd.s32 $0xFFFFFF80  }
0xc1: {  	[tilespmem:s31], [sflag:$0x1] =	stream.indirect.gather [hbm4b:s5+s26], $0x40, s0, s26, $0xb8;
	[tilespmem:$0x18580] =	vst v63  }
0xc2: {  	_ =	swait.ge [sflag:s29], $0x2000  }
0xc3: {  	[sflag:s29] =	ssyncset.done $0x0  }
0xc4: {  	s0 =	sadd.s32 $0x2880, s8;
	[sflag:s29] =	ssyncadd.s32 $0xFFFFE000  }
0xc5: {  	[spmem:s2] =	stream.indirect.scatter.add.f32 [tilespmem:s31], [sflag:$0x2], $0x40, s0, s26, $0xb8;
	[tilespmem:$0x18580] =	vst v63  }
0xc6: {  	_ =	swait.ge [sflag:s23], $0x2000  }
0xc7: {  	[sflag:s23] =	ssyncset.done $0x0  }
0xc8: {  	[sflag:s23] =	ssyncadd.s32 $0xFFFFE000  }
0xc9: {  	[spmem:s3] =	stream.indirect.scatter.add.f32 [tilespmem:s30], [sflag:$0x2], $0x1, s0, s26, $0xb8;
	[tilespmem:$0x18580] =	vst v63  }
0xca: {  	_ =	swait.ge [sflag:s23], $0x80  }
0xcb: {  	[sflag:s23] =	ssyncset.done $0x0  }
0xcc: {  	s0 =	sadd.s32 $0x100, s8;
	[sflag:s23] =	ssyncadd.s32 $0xFFFFFF80  }
0xcd: {  	[tilespmem:s1], [sflag:$0x1] =	stream.indirect.gather [hbm4b:s5+s26], $0x40, s0, s26, $0xb8;
	[tilespmem:$0x18580] =	vst v63  }
0xce: {  	_ =	swait.ge [sflag:s29], $0x2000  }
0xcf: {  	[sflag:s29] =	ssyncset.done $0x0  }
0xd0: {  	s0 =	sadd.s32 $0x2900, s8;
	[sflag:s29] =	ssyncadd.s32 $0xFFFFE000  }
0xd1: {  	[spmem:s2] =	stream.indirect.scatter.add.f32 [tilespmem:s1], [sflag:$0x2], $0x40, s0, s26, $0xb8;
	[tilespmem:$0x18580] =	vst v63  }
0xd2: {  	_ =	swait.ge [sflag:s23], $0x2000  }
0xd3: {  	[sflag:s23] =	ssyncset.done $0x0  }
0xd4: {  	[sflag:s23] =	ssyncadd.s32 $0xFFFFE000  }
0xd5: {  	[spmem:s3] =	stream.indirect.scatter.add.f32 [tilespmem:s30], [sflag:$0x2], $0x1, s0, s26, $0xb8;
	[tilespmem:$0x18580] =	vst v63  }
0xd6: {  	_ =	swait.ge [sflag:s23], $0x80  }
0xd7: {  	[sflag:s23] =	ssyncset.done $0x0  }
0xd8: {  	s0 =	sadd.s32 $0x180, s8;
	[sflag:s23] =	ssyncadd.s32 $0xFFFFFF80  }
0xd9: {  	[tilespmem:s24], [sflag:$0x1] =	stream.indirect.gather [hbm4b:s5+s26], $0x40, s0, s26, $0xb8;
	[tilespmem:$0x18580] =	vst v63  }
0xda: {  	_ =	swait.ge [sflag:s29], $0x2000  }
0xdb: {  	[sflag:s29] =	ssyncset.done $0x0  }
0xdc: {  	s0 =	sadd.s32 $0x2980, s8;
	[sflag:s29] =	ssyncadd.s32 $0xFFFFE000  }
0xdd: {  	[spmem:s2] =	stream.indirect.scatter.add.f32 [tilespmem:s24], [sflag:$0x2], $0x40, s0, s26, $0xb8;
	[tilespmem:$0x18580] =	vst v63  }
0xde: {  	_ =	swait.ge [sflag:s23], $0x2000  }
.Ltmp1:
0xdf: {  	[sflag:s23] =	ssyncset.done $0x0;
	(pc) =	sbr.rel @p0 .LBB2_4-.Ltmp1, $4  }
0xe0: {  	[sflag:s23] =	ssyncadd.s32 $0xFFFFE000  }
0xe1: {  	[spmem:s3] =	stream.indirect.scatter.add.f32 [tilespmem:s30], [sflag:$0x2], $0x1, s0, s26, $0xb8;
	[tilespmem:$0x18580] =	vst v63  }
0xe2: {  	_ =	swait.ge [sflag:s23], $0x80  }
0xe3: {  	s0 =	smov.u32 s9;
	[sflag:s23] =	ssyncset.done $0x0  }
0xe4: {  	s0 =	sshra.s32 s25, $0x2;
	[sflag:s23] =	ssyncadd.s32 $0xFFFFFF80  }
0xe5: {  	[tilespmem:s28], [sflag:$0x1] =	stream.indirect.gather [hbm4b:s5+s26], $0x40, s0, s26, $0xb8;
	[tilespmem:$0x18580] =	vst v63  }
0xe6: {  	_ =	swait.ge [sflag:s29], $0x2000  }
0xe7: {  	[sflag:s29] =	ssyncset.done $0x0  }
0xe8: {  	s8 =	sadd.s32 $0x2800, s0;
	[sflag:s29] =	ssyncadd.s32 $0xFFFFE000  }
0xe9: {  	[spmem:s2] =	stream.indirect.scatter.add.f32 [tilespmem:s28], [sflag:$0x2], $0x40, s8, s26, $0xb8;
	[tilespmem:$0x18580] =	vst v63  }
0xea: {  	_ =	swait.ge [sflag:s23], $0x2000  }
0xeb: {  	[sflag:s23] =	ssyncset.done $0x0  }
0xec: {  	[sflag:s23] =	ssyncadd.s32 $0xFFFFE000  }
0xed: {  	[spmem:s3] =	stream.indirect.scatter.add.f32 [tilespmem:s30], [sflag:$0x2], $0x1, s8, s26, $0xb8;
	[tilespmem:$0x18580] =	vst v63  }
0xee: {  	_ =	swait.ge [sflag:s23], $0x80  }
0xef: {  	[sflag:s23] =	ssyncset.done $0x0  }
0xf0: {  	s25 =	sadd.s32 $0x80, s0;
	[sflag:s23] =	ssyncadd.s32 $0xFFFFFF80  }
0xf1: {  	[tilespmem:s31], [sflag:$0x1] =	stream.indirect.gather [hbm4b:s5+s26], $0x40, s25, s26, $0xb8;
	[tilespmem:$0x18580] =	vst v63  }
0xf2: {  	_ =	swait.ge [sflag:s29], $0x2000  }
0xf3: {  	[sflag:s29] =	ssyncset.done $0x0  }
0xf4: {  	s9 =	sadd.s32 $0x2880, s0;
	[sflag:s29] =	ssyncadd.s32 $0xFFFFE000  }
0xf5: {  	[spmem:s2] =	stream.indirect.scatter.add.f32 [tilespmem:s31], [sflag:$0x2], $0x40, s9, s26, $0xb8;
	[tilespmem:$0x18580] =	vst v63  }
0xf6: {  	_ =	swait.ge [sflag:s23], $0x2000  }
0xf7: {  	[sflag:s23] =	ssyncset.done $0x0  }
0xf8: {  	[sflag:s23] =	ssyncadd.s32 $0xFFFFE000  }
0xf9: {  	[spmem:s3] =	stream.indirect.scatter.add.f32 [tilespmem:s30], [sflag:$0x2], $0x1, s9, s26, $0xb8;
	[tilespmem:$0x18580] =	vst v63  }
0xfa: {  	_ =	swait.ge [sflag:s23], $0x80  }
0xfb: {  	[sflag:s23] =	ssyncset.done $0x0  }
0xfc: {  	s25 =	sadd.s32 $0x100, s0;
	[sflag:s23] =	ssyncadd.s32 $0xFFFFFF80  }
0xfd: {  	[tilespmem:s1], [sflag:$0x1] =	stream.indirect.gather [hbm4b:s5+s26], $0x40, s25, s26, $0xb8;
	[tilespmem:$0x18580] =	vst v63  }
0xfe: {  	_ =	swait.ge [sflag:s29], $0x2000  }
0xff: {  	[sflag:s29] =	ssyncset.done $0x0  }
0x100: {  	s9 =	sadd.s32 $0x2900, s0;
	[sflag:s29] =	ssyncadd.s32 $0xFFFFE000  }
0x101: {  	[spmem:s2] =	stream.indirect.scatter.add.f32 [tilespmem:s1], [sflag:$0x2], $0x40, s9, s26, $0xb8;
	[tilespmem:$0x18580] =	vst v63  }
0x102: {  	_ =	swait.ge [sflag:s23], $0x2000  }
0x103: {  	[sflag:s23] =	ssyncset.done $0x0  }
0x104: {  	[sflag:s23] =	ssyncadd.s32 $0xFFFFE000  }
0x105: {  	[spmem:s3] =	stream.indirect.scatter.add.f32 [tilespmem:s30], [sflag:$0x2], $0x1, s9, s26, $0xb8;
	[tilespmem:$0x18580] =	vst v63  }
0x106: {  	_ =	swait.ge [sflag:s23], $0x80  }
0x107: {  	[sflag:s23] =	ssyncset.done $0x0  }
0x108: {  	s25 =	sadd.s32 $0x180, s0;
	[sflag:s23] =	ssyncadd.s32 $0xFFFFFF80  }
0x109: {  	[tilespmem:s24], [sflag:$0x1] =	stream.indirect.gather [hbm4b:s5+s26], $0x40, s25, s26, $0xb8;
	[tilespmem:$0x18580] =	vst v63  }
0x10a: {  	_ =	swait.ge [sflag:s29], $0x2000  }
0x10b: {  	[sflag:s29] =	ssyncset.done $0x0  }
0x10c: {  	s0 =	sadd.s32 $0x2980, s0;
	[sflag:s29] =	ssyncadd.s32 $0xFFFFE000  }
0x10d: {  	[spmem:s2] =	stream.indirect.scatter.add.f32 [tilespmem:s24], [sflag:$0x2], $0x40, s0, s26, $0xb8;
	[tilespmem:$0x18580] =	vst v63  }
0x10e: {  	_ =	swait.ge [sflag:s23], $0x2000  }
0x10f: {  	[sflag:s23] =	ssyncset.done $0x0  }
0x110: {  	[sflag:s23] =	ssyncadd.s32 $0xFFFFE000  }
0x111: {  	[spmem:s3] =	stream.indirect.scatter.add.f32 [tilespmem:s30], [sflag:$0x2], $0x1, s0, s26, $0xb8;
	[tilespmem:$0x18580] =	vst v63  }
0x112: {  	_ =	swait.ge [sflag:s23], $0x80  }
0x113: {  	s8 =	stileid.u32;
	[sflag:s23] =	ssyncset.done $0x0  }
0x114: {  	s0 =	sshll.u32 s8, $0x6;
	[sflag:s23] =	ssyncadd.s32 $0xFFFFFF80  }
0x115: {  	s9 =	sshrl.u32 s6, $0x3;
	s0 =	sor.u32 $0x1C02, s0;
	[bflag:$0x0] =	sbarrier.arrive $0xFFFF  }
0x116: {  	[hbm:s10], [sflag:s0] =	dma.local [spmem:s9], $0x1400  }
0x117: {  	s4 =	sadd.s32 $0x1, s4;
	_ =	swait.ge [sflag:s23], $0x1400  }
0x118: {  	p0 =	sne.s32 s4, s12;
	[sflag:s23] =	ssyncset.done $0x0  }
.Ltmp2:
0x119: {  	s25 =	sshrl.u32 s7, $0x3;
	[sflag:s23] =	ssyncadd.s32 $0xFFFFEC00;
	(pc) =	sbr.rel @p0 .LBB2_1-.Ltmp2, $4  }
0x11a: {  	[hbm:s11], [sflag:s0] =	dma.local [spmem:s25], $0x50  }
0x11b: {  	_ =	swait.ge [sflag:s23], $0x50  }
0x11c: {  	[sflag:s23] =	ssyncset.done $0x0  }
0x11d: {  	[sflag:s23] =	ssyncadd.s32 $0xFFFFFFB0  }
0x11e: {  	_ =	sfence.sel $0x180000  }
0x11f: {  	[bflag:$0x0] =	sbarrier.arrive $0xFFFF  }
0x120: {  	_ =	strace $0x90000047  }
0x121: {  	s0 =	stileid.u32;
	[bflag:$0x2] =	sbarrier.arrive $0xFFFF  }
0x122: {  	p0 =	sne.s32 s0, $0x0;
	s0 =	rddreg [dreg:$0x4]  }
0x123: {  	s0 =	sadd.s32 @!p0 $0x100000, s0  }
0x124: {  	[sflag:s0] =	ssyncadd.tile.s32 @!p0 $0x1;
	_ =	shalt  }
.Lfunc_end2:
_tile_overlayer_lowered:
.L_overlay_start_2:
0x125: {  	(tag) =	ssettag $0x2  }
0x126: {  	s0 =	rddreg [dreg:$0x0];
	s2 =	stileid.u32  }
0x127: {  	s1 =	rddreg [dreg:$0x1];
	p0 =	sne.s32 s2, $0x0  }
0x128: {  	s3 =	rddreg [dreg:$0x2];
	[bflag:$0x3] =	sbarrier.arrive $0xFFFF;
	s2 =	simm.s32 @!p0 $0x1C02  }
0x129: {  	[timem:s3], [sflag:s2] =	dma.local @!p0 [hbm:s0], s1  }
0x12a: {  	s0 =	simm.s32 @!p0 $0x2  }
0x12b: {  	_ =	swait.ge @!p0 [sflag:s0], s1  }
0x12c: {  	s1 =	ssub.s32 @!p0 $0x0, s1;
	[sflag:s0] =	ssyncset.done @!p0 $0x0  }
0x12d: {  	[sflag:s0] =	ssyncadd.s32 @!p0 s1  }
0x12e: {  	[bflag:$0x3] =	sbarrier.arrive $0xFFFF  }
0x12f: {  	_ =	shalt  }

</sc_bundles>
